<compile_context>
chip_gen: v7x
topology: tpu7x:2x2x1
jax: 0.10.2.dev20260603
libtpu: 0.0.44.dev20260713+nightly
codegen_flags: <defaults>
</compile_context>

<pallas_src>
import functools

import jax
import jax.numpy as jnp
from jax import lax
from jax.experimental import pallas as pl
from jax.experimental.pallas import tpu as pltpu
from jax.experimental.pallas import tpu_sc as plsc

N_CODES = 8192
DIM = 256
N_TOKENS = 16384
COMMITMENT = 0.25


_TM = 1024
_WIN = 4096


def _argmin_body(z2_ref, zt_ref, cb_ref, out_ref):
    z2 = z2_ref[...]
    zt16 = zt_ref[...]
    m_run = None
    i_run = None
    for start in range(0, N_CODES, _WIN):
        size = min(_WIN, N_CODES - start)
        cb = cb_ref[pl.ds(start, size), :]
        p = lax.dot_general(cb, zt16, (((1,), (0,)), ((), ())),
                            preferred_element_type=jnp.float32)
        d = z2 - 2.0 * p
        m = jnp.min(d, axis=0, keepdims=True)
        iota = lax.broadcasted_iota(jnp.int32, (size, _TM), 0)
        bi = jnp.min(jnp.where(d == m, iota, jnp.int32(2**30)),
                     axis=0, keepdims=True) + start
        if m_run is None:
            m_run, i_run = m, bi
        else:
            carry16 = m_run.astype(jnp.bfloat16).astype(jnp.float32)
            upd = m < carry16
            m_run = jnp.where(upd, m, m_run)
            i_run = jnp.where(upd, bi, i_run)
    out_ref[...] = i_run.reshape(1, 1, _TM)


def _argmin_indices(z2, zt16, codebook16):
    grid = (N_TOKENS // _TM,)
    out = pl.pallas_call(
        _argmin_body,
        grid=grid,
        in_specs=[
            pl.BlockSpec((1, _TM), lambda i: (0, i)),
            pl.BlockSpec((DIM, _TM), lambda i: (0, i)),
            pl.BlockSpec((N_CODES, DIM), lambda i: (0, 0)),
        ],
        out_specs=pl.BlockSpec((1, 1, _TM), lambda i: (i, 0, 0)),
        out_shape=jax.ShapeDtypeStruct((N_TOKENS // _TM, 1, _TM), jnp.int32),
    )(z2, zt16, codebook16)
    return out.reshape(-1)



_NC, _NS = 2, 16
_NW = _NC * _NS
_BPW = N_TOKENS // _NW
_CHUNK = 128


def _sc_body(cb_hbm, idx2_hbm, zeros_hbm, ones_hbm, zq_hbm, pres_hbm,
             idx2_v, rows_v, zeros_v, ones_v, shared, sem):
    cid = lax.axis_index("c")
    sid = lax.axis_index("s")
    wid = sid * _NC + cid
    base = wid * _BPW
    nrow = _BPW // _CHUNK
    pltpu.sync_copy(idx2_hbm.at[pl.ds(wid * nrow, nrow)], idx2_v)
    for c in range(nrow):
        pltpu.async_copy(cb_hbm.at[idx2_v.at[c]], rows_v, sem).wait()
        pltpu.sync_copy(rows_v, zq_hbm.at[pl.ds(base + c * _CHUNK, _CHUNK)])

    @pl.when(sid == 0)
    def _zero():
        pltpu.sync_copy(zeros_hbm, zeros_v)
        pltpu.sync_copy(zeros_v, shared)

    plsc.subcore_barrier()
    pltpu.sync_copy(ones_hbm, ones_v)
    for c in range(nrow):
        pltpu.sync_copy(ones_v, shared.at[idx2_v.at[c]], add=True)
    plsc.subcore_barrier()

    @pl.when(sid == 0)
    def _flush():
        pltpu.sync_copy(shared, zeros_v)
        pltpu.sync_copy(zeros_v, pres_hbm.at[cid])


def _sc_gather(codebook, indices, zeros, ones):
    mesh = plsc.VectorSubcoreMesh(
        core_axis_name="c", subcore_axis_name="s",
        num_cores=_NC, num_subcores=_NS)
    fn = pl.kernel(
        _sc_body,
        out_type=[
            jax.ShapeDtypeStruct((N_TOKENS, DIM), jnp.float32),
            jax.ShapeDtypeStruct((_NC, N_CODES), jnp.int32),
        ],
        mesh=mesh,
        scratch_types=[
            pltpu.VMEM((_BPW // _CHUNK, _CHUNK), jnp.int32),
            pltpu.VMEM((_CHUNK, DIM), jnp.float32),
            pltpu.VMEM((N_CODES,), jnp.int32),
            pltpu.VMEM((_CHUNK,), jnp.int32),
            pltpu.VMEM_SHARED((N_CODES,), jnp.int32),
            pltpu.SemaphoreType.DMA,
        ],
    )
    return fn(codebook, indices.reshape(N_TOKENS // _CHUNK, _CHUNK),
              zeros, ones)



_TK = 1024


def _epilogue_body(z_ref, q_ref, pres_ref, st_ref, sq_ref, cnt_ref, acc_ref):
    i = pl.program_id(0)
    z = z_ref[...]
    q = q_ref[...]
    dlt = q - z
    st_ref[...] = z + dlt

    @pl.when(i == 0)
    def _init():
        acc_ref[0, 0] = 0.0
        ps = jnp.sum(pres_ref[...], axis=0)
        cnt_ref[...] = jnp.sum((ps > 0).astype(jnp.float32)).reshape(1, 1)

    acc_ref[0, 0] += jnp.sum(dlt * dlt)

    @pl.when(i == (N_TOKENS // _TK) - 1)
    def _fin():
        sq_ref[...] = acc_ref[0, 0].reshape(1, 1)


def _epilogue(z_flat, zq_flat, pres):
    grid = (N_TOKENS // _TK,)
    return pl.pallas_call(
        _epilogue_body,
        grid=grid,
        in_specs=[
            pl.BlockSpec((_TK, DIM), lambda i: (i, 0)),
            pl.BlockSpec((_TK, DIM), lambda i: (i, 0)),
            pl.BlockSpec((_NC, N_CODES), lambda i: (0, 0)),
        ],
        out_specs=[
            pl.BlockSpec((_TK, DIM), lambda i: (i, 0)),
            pl.BlockSpec((1, 1), lambda i: (0, 0)),
            pl.BlockSpec((1, 1), lambda i: (0, 0)),
        ],
        out_shape=[
            jax.ShapeDtypeStruct((N_TOKENS, DIM), jnp.float32),
            jax.ShapeDtypeStruct((1, 1), jnp.float32),
            jax.ShapeDtypeStruct((1, 1), jnp.float32),
        ],
        scratch_shapes=[pltpu.SMEM((1, 1), jnp.float32)],
    )(z_flat, zq_flat, pres)



def kernel(z, codebook):
    B, C, H, W = z.shape
    z_flat = z.transpose(0, 2, 3, 1).reshape(-1, C)
    z2 = (z_flat ** 2).sum(axis=1).reshape(1, -1)
    zt16 = z.transpose(1, 0, 2, 3).reshape(C, B * H * W).astype(jnp.bfloat16)
    indices = _argmin_indices(z2, zt16, codebook.astype(jnp.bfloat16))

    zeros = jnp.zeros((N_CODES,), jnp.int32)
    ones = jnp.ones((_CHUNK,), jnp.int32)
    zq_flat, pres = _sc_gather(codebook, indices, zeros, ones)
    st_flat, sq, cnt = _epilogue(z_flat, zq_flat, pres)

    z_q_st = st_flat.reshape(B, H, W, C).transpose(0, 3, 1, 2)
    m = sq[0, 0] / (B * C * H * W)
    vq_loss = m + COMMITMENT * m
    usage = cnt[0, 0] / N_CODES
    return (z_q_st, vq_loss, usage, indices.reshape(B, H, W))

# --- scband reference (transcript-rebuilt; emitter-appended) ---
"""Pipeline reference for scband-vector-quantizer-61297773248851 (READ-ONLY COPY).

The authoritative reference and input builder live on the scoring server;
editing this copy changes nothing except your own understanding.
"""

import jax, jax.numpy as jnp
import numpy as np

N_CODES = 8192
DIM = 256
COMMITMENT = 0.25

def setup_inputs(seed: int = 0) -> dict:
    key = jax.random.key(seed)
    k1, k2 = jax.random.split(key)
    z = jax.random.normal(k1, (16, 256, 32, 32), dtype=jnp.float32)
    codebook = jax.random.uniform(k2, (N_CODES, DIM), dtype=jnp.float32, minval=-1.0 / N_CODES, maxval=1.0 / N_CODES)
    return {"z": z, "codebook": codebook}

def reference(z, codebook):
    B, C, H, W = z.shape
    z_flat = jnp.transpose(z, (0, 2, 3, 1)).reshape(-1, C)
    dists = (z_flat ** 2).sum(axis=1, keepdims=True) + (codebook ** 2).sum(axis=1) - 2.0 * z_flat @ codebook.T
    indices = jnp.argmin(dists, axis=1)
    z_q = jnp.transpose(jnp.take(codebook, indices, axis=0).reshape(B, H, W, C), (0, 3, 1, 2))
    commit_loss = jnp.mean((jax.lax.stop_gradient(z_q) - z) ** 2)
    codebook_loss = jnp.mean((z_q - jax.lax.stop_gradient(z)) ** 2)
    vq_loss = codebook_loss + COMMITMENT * commit_loss
    z_q_st = z + jax.lax.stop_gradient(z_q - z)
    usage = (jnp.bincount(indices, length=N_CODES) > 0).sum() / N_CODES
    return (z_q_st, vq_loss, usage, indices.reshape(B, H, W))

if __name__ == "__main__":
    import jax
    _d = setup_inputs()
    print(jax.jit(kernel)(*tuple(_d.values())))

</pallas_src>

<mosaic_0001>
#map = affine_map<(d0, d1) -> (0, 0)>
#map1 = affine_map<(d0, d1) -> (0)>
module attributes {stable_mosaic.version = 14 : i64} {
  func.func @_sc_body(%arg0: i32, %arg1: i32, %arg2: memref<8192x256xf32, #tpu.memory_space<hbm>>, %arg3: memref<128x128xi32, #tpu.memory_space<hbm>>, %arg4: memref<8192xi32, #tpu.memory_space<hbm>>, %arg5: memref<128xi32, #tpu.memory_space<hbm>>, %arg6: memref<16384x256xf32, #tpu.memory_space<hbm>>, %arg7: memref<2x8192xi32, #tpu.memory_space<hbm>>, %arg8: memref<4x128xi32, #tpu.memory_space<vmem>>, %arg9: memref<128x256xf32, #tpu.memory_space<vmem>>, %arg10: memref<8192xi32, #tpu.memory_space<vmem>>, %arg11: memref<128xi32, #tpu.memory_space<vmem>>, %arg12: memref<8192xi32, #tpu.memory_space<vmem_shared>>, %arg13: memref<!tpu.dma_semaphore, #tpu.memory_space<semaphore_mem>>) attributes {dimension_semantics = [#tpu.dimension_semantics<core_parallel>, #tpu.dimension_semantics<subcore_parallel>], iteration_bounds = array<i64: 2, 16>, scalar_prefetch = 0 : i64, scratch_operands = 6 : i64, tpu.core_type = #tpu.core_type<sc_vector_subcore>, window_params = [{transform_indices = #map}, {transform_indices = #map}, {transform_indices = #map1}, {transform_indices = #map1}, {transform_indices = #map}, {transform_indices = #map}]} {
    %mul3A = arith.constant 2 : i32
    %mul3A_0 = arith.muli %arg1, %mul3A : i32
    %add3A = arith.addi %mul3A_0, %arg0 : i32
    %mul3A_1 = arith.constant 512 : i32
    %mul3A_2 = arith.muli %add3A, %mul3A_1 : i32
    %mul3A_3 = arith.constant 4 : i32
    %mul3A_4 = arith.muli %add3A, %mul3A_3 : i32
    "tpu.region"() ({
      %run_scoped3A_78 = tpu.sem_alloc : memref<!tpu.dma_semaphore, #tpu.memory_space<semaphore_mem>>
      %dma_start3A_79 = arith.constant 0 : i32
      %dma_start3A_80 = tpu.memref_slice %arg3[%mul3A_4, %dma_start3A_79] : memref<128x128xi32, #tpu.memory_space<hbm>> -> memref<4x128xi32, #tpu.memory_space<hbm>>
      %dma_start3A_81 = arith.constant 0 : i32
      %dma_start3A_82 = tpu.memref_slice %arg3[%mul3A_4, %dma_start3A_81] : memref<128x128xi32, #tpu.memory_space<hbm>> -> memref<4x128xi32, #tpu.memory_space<hbm>>
      tpu.enqueue_dma source(%dma_start3A_82 : memref<4x128xi32, #tpu.memory_space<hbm>>) target(%arg8 : memref<4x128xi32, #tpu.memory_space<vmem>>) target_semaphore(%run_scoped3A_78 : memref<!tpu.dma_semaphore, #tpu.memory_space<semaphore_mem>>)
      %dma_wait3A_83 = arith.constant 0 : i32
      %dma_wait3A_84 = tpu.memref_slice %arg3[%mul3A_4, %dma_wait3A_83] : memref<128x128xi32, #tpu.memory_space<hbm>> -> memref<4x128xi32, #tpu.memory_space<hbm>>
      %dma_wait3A_85 = arith.constant 0 : i32
      %dma_wait3A_86 = tpu.memref_slice %arg3[%mul3A_4, %dma_wait3A_85] : memref<128x128xi32, #tpu.memory_space<hbm>> -> memref<4x128xi32, #tpu.memory_space<hbm>>
      tpu.wait_dma2 semaphore(%run_scoped3A_78 : memref<!tpu.dma_semaphore, #tpu.memory_space<semaphore_mem>>) src(%dma_wait3A_86 : memref<4x128xi32, #tpu.memory_space<hbm>>) dst(%arg8 : memref<4x128xi32, #tpu.memory_space<vmem>>)
      tpu.yield
    }) : () -> ()
    %dma_start3A = arith.constant 0 : i32
    %dma_start3A_5 = arith.constant 0 : i32
    %dma_start3A_6 = tpu.memref_slice %arg8[%dma_start3A, %dma_start3A_5] : memref<4x128xi32, #tpu.memory_space<vmem>> -> memref<1x128xi32, #tpu.memory_space<vmem>>
    %dma_start3A_7 = tpu.memref_squeeze %dma_start3A_6 : memref<1x128xi32, #tpu.memory_space<vmem>> -> memref<128xi32, #tpu.memory_space<vmem>>
    %dma_start3A_8 = arith.constant 0 : i32
    %dma_start3A_9 = arith.constant 0 : i32
    %dma_start3A_10 = tpu.memref_slice %arg2[%dma_start3A_8, %dma_start3A_9] : memref<8192x256xf32, #tpu.memory_space<hbm>> -> memref<8192x256xf32, #tpu.memory_space<hbm>>
    tpu.enqueue_indirect_dma source(%dma_start3A_10 : memref<8192x256xf32, #tpu.memory_space<hbm>>) target(%arg9 : memref<128x256xf32, #tpu.memory_space<vmem>>) offsets(%dma_start3A_7 : memref<128xi32, #tpu.memory_space<vmem>>) semaphore(%arg13 : memref<!tpu.dma_semaphore, #tpu.memory_space<semaphore_mem>>)
    %dma_wait3A = arith.constant 0 : i32
    %dma_wait3A_11 = arith.constant 0 : i32
    %dma_wait3A_12 = tpu.memref_slice %arg8[%dma_wait3A, %dma_wait3A_11] : memref<4x128xi32, #tpu.memory_space<vmem>> -> memref<1x128xi32, #tpu.memory_space<vmem>>
    %dma_wait3A_13 = tpu.memref_squeeze %dma_wait3A_12 : memref<1x128xi32, #tpu.memory_space<vmem>> -> memref<128xi32, #tpu.memory_space<vmem>>
    %dma_wait3A_14 = arith.constant 0 : i32
    %dma_wait3A_15 = arith.constant 0 : i32
    %dma_wait3A_16 = tpu.memref_slice %arg2[%dma_wait3A_14, %dma_wait3A_15] : memref<8192x256xf32, #tpu.memory_space<hbm>> -> memref<8192x256xf32, #tpu.memory_space<hbm>>
    tpu.wait_indirect_dma semaphore(%arg13 : memref<!tpu.dma_semaphore, #tpu.memory_space<semaphore_mem>>) src(%dma_wait3A_16 : memref<8192x256xf32, #tpu.memory_space<hbm>>) dst(%arg9 : memref<128x256xf32, #tpu.memory_space<vmem>>)
    %add3A_17 = arith.constant 0 : i32
    %add3A_18 = arith.addi %mul3A_2, %add3A_17 : i32
    "tpu.region"() ({
      %run_scoped3A_78 = tpu.sem_alloc : memref<!tpu.dma_semaphore, #tpu.memory_space<semaphore_mem>>
      %dma_start3A_79 = arith.constant 0 : i32
      %dma_start3A_80 = tpu.memref_slice %arg6[%add3A_18, %dma_start3A_79] : memref<16384x256xf32, #tpu.memory_space<hbm>> -> memref<128x256xf32, #tpu.memory_space<hbm>>
      %dma_start3A_81 = arith.constant 0 : i32
      %dma_start3A_82 = tpu.memref_slice %arg6[%add3A_18, %dma_start3A_81] : memref<16384x256xf32, #tpu.memory_space<hbm>> -> memref<128x256xf32, #tpu.memory_space<hbm>>
      tpu.enqueue_dma source(%arg9 : memref<128x256xf32, #tpu.memory_space<vmem>>) target(%dma_start3A_82 : memref<128x256xf32, #tpu.memory_space<hbm>>) target_semaphore(%run_scoped3A_78 : memref<!tpu.dma_semaphore, #tpu.memory_space<semaphore_mem>>)
      %dma_wait3A_83 = arith.constant 0 : i32
      %dma_wait3A_84 = tpu.memref_slice %arg6[%add3A_18, %dma_wait3A_83] : memref<16384x256xf32, #tpu.memory_space<hbm>> -> memref<128x256xf32, #tpu.memory_space<hbm>>
      %dma_wait3A_85 = arith.constant 0 : i32
      %dma_wait3A_86 = tpu.memref_slice %arg6[%add3A_18, %dma_wait3A_85] : memref<16384x256xf32, #tpu.memory_space<hbm>> -> memref<128x256xf32, #tpu.memory_space<hbm>>
      tpu.wait_dma2 semaphore(%run_scoped3A_78 : memref<!tpu.dma_semaphore, #tpu.memory_space<semaphore_mem>>) src(%arg9 : memref<128x256xf32, #tpu.memory_space<vmem>>) dst(%dma_wait3A_86 : memref<128x256xf32, #tpu.memory_space<hbm>>)
      tpu.yield
    }) : () -> ()
    %dma_start3A_19 = arith.constant 1 : i32
    %dma_start3A_20 = arith.constant 0 : i32
    %dma_start3A_21 = tpu.memref_slice %arg8[%dma_start3A_19, %dma_start3A_20] : memref<4x128xi32, #tpu.memory_space<vmem>> -> memref<1x128xi32, #tpu.memory_space<vmem>>
    %dma_start3A_22 = tpu.memref_squeeze %dma_start3A_21 : memref<1x128xi32, #tpu.memory_space<vmem>> -> memref<128xi32, #tpu.memory_space<vmem>>
    %dma_start3A_23 = arith.constant 0 : i32
    %dma_start3A_24 = arith.constant 0 : i32
    %dma_start3A_25 = tpu.memref_slice %arg2[%dma_start3A_23, %dma_start3A_24] : memref<8192x256xf32, #tpu.memory_space<hbm>> -> memref<8192x256xf32, #tpu.memory_space<hbm>>
    tpu.enqueue_indirect_dma source(%dma_start3A_25 : memref<8192x256xf32, #tpu.memory_space<hbm>>) target(%arg9 : memref<128x256xf32, #tpu.memory_space<vmem>>) offsets(%dma_start3A_22 : memref<128xi32, #tpu.memory_space<vmem>>) semaphore(%arg13 : memref<!tpu.dma_semaphore, #tpu.memory_space<semaphore_mem>>)
    %dma_wait3A_26 = arith.constant 1 : i32
    %dma_wait3A_27 = arith.constant 0 : i32
    %dma_wait3A_28 = tpu.memref_slice %arg8[%dma_wait3A_26, %dma_wait3A_27] : memref<4x128xi32, #tpu.memory_space<vmem>> -> memref<1x128xi32, #tpu.memory_space<vmem>>
    %dma_wait3A_29 = tpu.memref_squeeze %dma_wait3A_28 : memref<1x128xi32, #tpu.memory_space<vmem>> -> memref<128xi32, #tpu.memory_space<vmem>>
    %dma_wait3A_30 = arith.constant 0 : i32
    %dma_wait3A_31 = arith.constant 0 : i32
    %dma_wait3A_32 = tpu.memref_slice %arg2[%dma_wait3A_30, %dma_wait3A_31] : memref<8192x256xf32, #tpu.memory_space<hbm>> -> memref<8192x256xf32, #tpu.memory_space<hbm>>
    tpu.wait_indirect_dma semaphore(%arg13 : memref<!tpu.dma_semaphore, #tpu.memory_space<semaphore_mem>>) src(%dma_wait3A_32 : memref<8192x256xf32, #tpu.memory_space<hbm>>) dst(%arg9 : memref<128x256xf32, #tpu.memory_space<vmem>>)
    %add3A_33 = arith.constant 128 : i32
    %add3A_34 = arith.addi %mul3A_2, %add3A_33 : i32
    "tpu.region"() ({
      %run_scoped3A_78 = tpu.sem_alloc : memref<!tpu.dma_semaphore, #tpu.memory_space<semaphore_mem>>
      %dma_start3A_79 = arith.constant 0 : i32
      %dma_start3A_80 = tpu.memref_slice %arg6[%add3A_34, %dma_start3A_79] : memref<16384x256xf32, #tpu.memory_space<hbm>> -> memref<128x256xf32, #tpu.memory_space<hbm>>
      %dma_start3A_81 = arith.constant 0 : i32
      %dma_start3A_82 = tpu.memref_slice %arg6[%add3A_34, %dma_start3A_81] : memref<16384x256xf32, #tpu.memory_space<hbm>> -> memref<128x256xf32, #tpu.memory_space<hbm>>
      tpu.enqueue_dma source(%arg9 : memref<128x256xf32, #tpu.memory_space<vmem>>) target(%dma_start3A_82 : memref<128x256xf32, #tpu.memory_space<hbm>>) target_semaphore(%run_scoped3A_78 : memref<!tpu.dma_semaphore, #tpu.memory_space<semaphore_mem>>)
      %dma_wait3A_83 = arith.constant 0 : i32
      %dma_wait3A_84 = tpu.memref_slice %arg6[%add3A_34, %dma_wait3A_83] : memref<16384x256xf32, #tpu.memory_space<hbm>> -> memref<128x256xf32, #tpu.memory_space<hbm>>
      %dma_wait3A_85 = arith.constant 0 : i32
      %dma_wait3A_86 = tpu.memref_slice %arg6[%add3A_34, %dma_wait3A_85] : memref<16384x256xf32, #tpu.memory_space<hbm>> -> memref<128x256xf32, #tpu.memory_space<hbm>>
      tpu.wait_dma2 semaphore(%run_scoped3A_78 : memref<!tpu.dma_semaphore, #tpu.memory_space<semaphore_mem>>) src(%arg9 : memref<128x256xf32, #tpu.memory_space<vmem>>) dst(%dma_wait3A_86 : memref<128x256xf32, #tpu.memory_space<hbm>>)
      tpu.yield
    }) : () -> ()
    %dma_start3A_35 = arith.constant 2 : i32
    %dma_start3A_36 = arith.constant 0 : i32
    %dma_start3A_37 = tpu.memref_slice %arg8[%dma_start3A_35, %dma_start3A_36] : memref<4x128xi32, #tpu.memory_space<vmem>> -> memref<1x128xi32, #tpu.memory_space<vmem>>
    %dma_start3A_38 = tpu.memref_squeeze %dma_start3A_37 : memref<1x128xi32, #tpu.memory_space<vmem>> -> memref<128xi32, #tpu.memory_space<vmem>>
    %dma_start3A_39 = arith.constant 0 : i32
    %dma_start3A_40 = arith.constant 0 : i32
    %dma_start3A_41 = tpu.memref_slice %arg2[%dma_start3A_39, %dma_start3A_40] : memref<8192x256xf32, #tpu.memory_space<hbm>> -> memref<8192x256xf32, #tpu.memory_space<hbm>>
    tpu.enqueue_indirect_dma source(%dma_start3A_41 : memref<8192x256xf32, #tpu.memory_space<hbm>>) target(%arg9 : memref<128x256xf32, #tpu.memory_space<vmem>>) offsets(%dma_start3A_38 : memref<128xi32, #tpu.memory_space<vmem>>) semaphore(%arg13 : memref<!tpu.dma_semaphore, #tpu.memory_space<semaphore_mem>>)
    %dma_wait3A_42 = arith.constant 2 : i32
    %dma_wait3A_43 = arith.constant 0 : i32
    %dma_wait3A_44 = tpu.memref_slice %arg8[%dma_wait3A_42, %dma_wait3A_43] : memref<4x128xi32, #tpu.memory_space<vmem>> -> memref<1x128xi32, #tpu.memory_space<vmem>>
    %dma_wait3A_45 = tpu.memref_squeeze %dma_wait3A_44 : memref<1x128xi32, #tpu.memory_space<vmem>> -> memref<128xi32, #tpu.memory_space<vmem>>
    %dma_wait3A_46 = arith.constant 0 : i32
    %dma_wait3A_47 = arith.constant 0 : i32
    %dma_wait3A_48 = tpu.memref_slice %arg2[%dma_wait3A_46, %dma_wait3A_47] : memref<8192x256xf32, #tpu.memory_space<hbm>> -> memref<8192x256xf32, #tpu.memory_space<hbm>>
    tpu.wait_indirect_dma semaphore(%arg13 : memref<!tpu.dma_semaphore, #tpu.memory_space<semaphore_mem>>) src(%dma_wait3A_48 : memref<8192x256xf32, #tpu.memory_space<hbm>>) dst(%arg9 : memref<128x256xf32, #tpu.memory_space<vmem>>)
    %add3A_49 = arith.constant 256 : i32
    %add3A_50 = arith.addi %mul3A_2, %add3A_49 : i32
    "tpu.region"() ({
      %run_scoped3A_78 = tpu.sem_alloc : memref<!tpu.dma_semaphore, #tpu.memory_space<semaphore_mem>>
      %dma_start3A_79 = arith.constant 0 : i32
      %dma_start3A_80 = tpu.memref_slice %arg6[%add3A_50, %dma_start3A_79] : memref<16384x256xf32, #tpu.memory_space<hbm>> -> memref<128x256xf32, #tpu.memory_space<hbm>>
      %dma_start3A_81 = arith.constant 0 : i32
      %dma_start3A_82 = tpu.memref_slice %arg6[%add3A_50, %dma_start3A_81] : memref<16384x256xf32, #tpu.memory_space<hbm>> -> memref<128x256xf32, #tpu.memory_space<hbm>>
      tpu.enqueue_dma source(%arg9 : memref<128x256xf32, #tpu.memory_space<vmem>>) target(%dma_start3A_82 : memref<128x256xf32, #tpu.memory_space<hbm>>) target_semaphore(%run_scoped3A_78 : memref<!tpu.dma_semaphore, #tpu.memory_space<semaphore_mem>>)
      %dma_wait3A_83 = arith.constant 0 : i32
      %dma_wait3A_84 = tpu.memref_slice %arg6[%add3A_50, %dma_wait3A_83] : memref<16384x256xf32, #tpu.memory_space<hbm>> -> memref<128x256xf32, #tpu.memory_space<hbm>>
      %dma_wait3A_85 = arith.constant 0 : i32
      %dma_wait3A_86 = tpu.memref_slice %arg6[%add3A_50, %dma_wait3A_85] : memref<16384x256xf32, #tpu.memory_space<hbm>> -> memref<128x256xf32, #tpu.memory_space<hbm>>
      tpu.wait_dma2 semaphore(%run_scoped3A_78 : memref<!tpu.dma_semaphore, #tpu.memory_space<semaphore_mem>>) src(%arg9 : memref<128x256xf32, #tpu.memory_space<vmem>>) dst(%dma_wait3A_86 : memref<128x256xf32, #tpu.memory_space<hbm>>)
      tpu.yield
    }) : () -> ()
    %dma_start3A_51 = arith.constant 3 : i32
    %dma_start3A_52 = arith.constant 0 : i32
    %dma_start3A_53 = tpu.memref_slice %arg8[%dma_start3A_51, %dma_start3A_52] : memref<4x128xi32, #tpu.memory_space<vmem>> -> memref<1x128xi32, #tpu.memory_space<vmem>>
    %dma_start3A_54 = tpu.memref_squeeze %dma_start3A_53 : memref<1x128xi32, #tpu.memory_space<vmem>> -> memref<128xi32, #tpu.memory_space<vmem>>
    %dma_start3A_55 = arith.constant 0 : i32
    %dma_start3A_56 = arith.constant 0 : i32
    %dma_start3A_57 = tpu.memref_slice %arg2[%dma_start3A_55, %dma_start3A_56] : memref<8192x256xf32, #tpu.memory_space<hbm>> -> memref<8192x256xf32, #tpu.memory_space<hbm>>
    tpu.enqueue_indirect_dma source(%dma_start3A_57 : memref<8192x256xf32, #tpu.memory_space<hbm>>) target(%arg9 : memref<128x256xf32, #tpu.memory_space<vmem>>) offsets(%dma_start3A_54 : memref<128xi32, #tpu.memory_space<vmem>>) semaphore(%arg13 : memref<!tpu.dma_semaphore, #tpu.memory_space<semaphore_mem>>)
    %dma_wait3A_58 = arith.constant 3 : i32
    %dma_wait3A_59 = arith.constant 0 : i32
    %dma_wait3A_60 = tpu.memref_slice %arg8[%dma_wait3A_58, %dma_wait3A_59] : memref<4x128xi32, #tpu.memory_space<vmem>> -> memref<1x128xi32, #tpu.memory_space<vmem>>
    %dma_wait3A_61 = tpu.memref_squeeze %dma_wait3A_60 : memref<1x128xi32, #tpu.memory_space<vmem>> -> memref<128xi32, #tpu.memory_space<vmem>>
    %dma_wait3A_62 = arith.constant 0 : i32
    %dma_wait3A_63 = arith.constant 0 : i32
    %dma_wait3A_64 = tpu.memref_slice %arg2[%dma_wait3A_62, %dma_wait3A_63] : memref<8192x256xf32, #tpu.memory_space<hbm>> -> memref<8192x256xf32, #tpu.memory_space<hbm>>
    tpu.wait_indirect_dma semaphore(%arg13 : memref<!tpu.dma_semaphore, #tpu.memory_space<semaphore_mem>>) src(%dma_wait3A_64 : memref<8192x256xf32, #tpu.memory_space<hbm>>) dst(%arg9 : memref<128x256xf32, #tpu.memory_space<vmem>>)
    %add3A_65 = arith.constant 384 : i32
    %add3A_66 = arith.addi %mul3A_2, %add3A_65 : i32
    "tpu.region"() ({
      %run_scoped3A_78 = tpu.sem_alloc : memref<!tpu.dma_semaphore, #tpu.memory_space<semaphore_mem>>
      %dma_start3A_79 = arith.constant 0 : i32
      %dma_start3A_80 = tpu.memref_slice %arg6[%add3A_66, %dma_start3A_79] : memref<16384x256xf32, #tpu.memory_space<hbm>> -> memref<128x256xf32, #tpu.memory_space<hbm>>
      %dma_start3A_81 = arith.constant 0 : i32
      %dma_start3A_82 = tpu.memref_slice %arg6[%add3A_66, %dma_start3A_81] : memref<16384x256xf32, #tpu.memory_space<hbm>> -> memref<128x256xf32, #tpu.memory_space<hbm>>
      tpu.enqueue_dma source(%arg9 : memref<128x256xf32, #tpu.memory_space<vmem>>) target(%dma_start3A_82 : memref<128x256xf32, #tpu.memory_space<hbm>>) target_semaphore(%run_scoped3A_78 : memref<!tpu.dma_semaphore, #tpu.memory_space<semaphore_mem>>)
      %dma_wait3A_83 = arith.constant 0 : i32
      %dma_wait3A_84 = tpu.memref_slice %arg6[%add3A_66, %dma_wait3A_83] : memref<16384x256xf32, #tpu.memory_space<hbm>> -> memref<128x256xf32, #tpu.memory_space<hbm>>
      %dma_wait3A_85 = arith.constant 0 : i32
      %dma_wait3A_86 = tpu.memref_slice %arg6[%add3A_66, %dma_wait3A_85] : memref<16384x256xf32, #tpu.memory_space<hbm>> -> memref<128x256xf32, #tpu.memory_space<hbm>>
      tpu.wait_dma2 semaphore(%run_scoped3A_78 : memref<!tpu.dma_semaphore, #tpu.memory_space<semaphore_mem>>) src(%arg9 : memref<128x256xf32, #tpu.memory_space<vmem>>) dst(%dma_wait3A_86 : memref<128x256xf32, #tpu.memory_space<hbm>>)
      tpu.yield
    }) : () -> ()
    %eq3A = arith.constant 0 : i32
    %eq3A_67 = arith.cmpi eq, %arg1, %eq3A : i32
    %convert_element_type3A = arith.extui %eq3A_67 : i1 to i32
    %cond3A = arith.constant 0 : i32
    %cond3A_68 = arith.cmpi ne, %convert_element_type3A, %cond3A : i32
    scf.if %cond3A_68 {
      "tpu.region"() ({
        %run_scoped3A_78 = tpu.sem_alloc : memref<!tpu.dma_semaphore, #tpu.memory_space<semaphore_mem>>
        tpu.enqueue_dma source(%arg4 : memref<8192xi32, #tpu.memory_space<hbm>>) target(%arg10 : memref<8192xi32, #tpu.memory_space<vmem>>) target_semaphore(%run_scoped3A_78 : memref<!tpu.dma_semaphore, #tpu.memory_space<semaphore_mem>>)
        tpu.wait_dma2 semaphore(%run_scoped3A_78 : memref<!tpu.dma_semaphore, #tpu.memory_space<semaphore_mem>>) src(%arg4 : memref<8192xi32, #tpu.memory_space<hbm>>) dst(%arg10 : memref<8192xi32, #tpu.memory_space<vmem>>)
        tpu.yield
      }) : () -> ()
      "tpu.region"() ({
        %run_scoped3A_78 = tpu.sem_alloc : memref<!tpu.dma_semaphore, #tpu.memory_space<semaphore_mem>>
        tpu.enqueue_dma source(%arg10 : memref<8192xi32, #tpu.memory_space<vmem>>) target(%arg12 : memref<8192xi32, #tpu.memory_space<vmem_shared>>) target_semaphore(%run_scoped3A_78 : memref<!tpu.dma_semaphore, #tpu.memory_space<semaphore_mem>>)
        tpu.wait_dma2 semaphore(%run_scoped3A_78 : memref<!tpu.dma_semaphore, #tpu.memory_space<semaphore_mem>>) src(%arg10 : memref<8192xi32, #tpu.memory_space<vmem>>) dst(%arg12 : memref<8192xi32, #tpu.memory_space<vmem_shared>>)
        tpu.yield
      }) : () -> ()
    } else {
    }
    %barrier3A = arith.constant 0 : index
    tpu.barrier barrier_id(%barrier3A)
    "tpu.region"() ({
      %run_scoped3A_78 = tpu.sem_alloc : memref<!tpu.dma_semaphore, #tpu.memory_space<semaphore_mem>>
      tpu.enqueue_dma source(%arg5 : memref<128xi32, #tpu.memory_space<hbm>>) target(%arg11 : memref<128xi32, #tpu.memory_space<vmem>>) target_semaphore(%run_scoped3A_78 : memref<!tpu.dma_semaphore, #tpu.memory_space<semaphore_mem>>)
      tpu.wait_dma2 semaphore(%run_scoped3A_78 : memref<!tpu.dma_semaphore, #tpu.memory_space<semaphore_mem>>) src(%arg5 : memref<128xi32, #tpu.memory_space<hbm>>) dst(%arg11 : memref<128xi32, #tpu.memory_space<vmem>>)
      tpu.yield
    }) : () -> ()
    %run_scoped3A = arith.constant 0 : i32
    "tpu.region"() ({
      %run_scoped3A_78 = tpu.sem_alloc : memref<!tpu.dma_semaphore, #tpu.memory_space<semaphore_mem>>
      %dma_start3A_79 = arith.constant 0 : i32
      %dma_start3A_80 = tpu.memref_slice %arg8[%run_scoped3A, %dma_start3A_79] : memref<4x128xi32, #tpu.memory_space<vmem>> -> memref<1x128xi32, #tpu.memory_space<vmem>>
      %dma_start3A_81 = tpu.memref_squeeze %dma_start3A_80 : memref<1x128xi32, #tpu.memory_space<vmem>> -> memref<128xi32, #tpu.memory_space<vmem>>
      %dma_start3A_82 = arith.constant 0 : i32
      %dma_start3A_83 = tpu.memref_slice %arg12[%dma_start3A_82] : memref<8192xi32, #tpu.memory_space<vmem_shared>> -> memref<8192xi32, #tpu.memory_space<vmem_shared>>
      tpu.enqueue_indirect_dma source(%arg11 : memref<128xi32, #tpu.memory_space<vmem>>) target(%dma_start3A_83 : memref<8192xi32, #tpu.memory_space<vmem_shared>>) offsets(%dma_start3A_81 : memref<128xi32, #tpu.memory_space<vmem>>) semaphore(%run_scoped3A_78 : memref<!tpu.dma_semaphore, #tpu.memory_space<semaphore_mem>>) {add = true}
      %dma_wait3A_84 = arith.constant 0 : i32
      %dma_wait3A_85 = tpu.memref_slice %arg8[%run_scoped3A, %dma_wait3A_84] : memref<4x128xi32, #tpu.memory_space<vmem>> -> memref<1x128xi32, #tpu.memory_space<vmem>>
      %dma_wait3A_86 = tpu.memref_squeeze %dma_wait3A_85 : memref<1x128xi32, #tpu.memory_space<vmem>> -> memref<128xi32, #tpu.memory_space<vmem>>
      %dma_wait3A_87 = arith.constant 0 : i32
      %dma_wait3A_88 = tpu.memref_slice %arg12[%dma_wait3A_87] : memref<8192xi32, #tpu.memory_space<vmem_shared>> -> memref<8192xi32, #tpu.memory_space<vmem_shared>>
      tpu.wait_indirect_dma semaphore(%run_scoped3A_78 : memref<!tpu.dma_semaphore, #tpu.memory_space<semaphore_mem>>) src(%arg11 : memref<128xi32, #tpu.memory_space<vmem>>) dst(%dma_wait3A_88 : memref<8192xi32, #tpu.memory_space<vmem_shared>>)
      tpu.yield
    }) : () -> ()
    %run_scoped3A_69 = arith.constant 1 : i32
    "tpu.region"() ({
      %run_scoped3A_78 = tpu.sem_alloc : memref<!tpu.dma_semaphore, #tpu.memory_space<semaphore_mem>>
      %dma_start3A_79 = arith.constant 0 : i32
      %dma_start3A_80 = tpu.memref_slice %arg8[%run_scoped3A_69, %dma_start3A_79] : memref<4x128xi32, #tpu.memory_space<vmem>> -> memref<1x128xi32, #tpu.memory_space<vmem>>
      %dma_start3A_81 = tpu.memref_squeeze %dma_start3A_80 : memref<1x128xi32, #tpu.memory_space<vmem>> -> memref<128xi32, #tpu.memory_space<vmem>>
      %dma_start3A_82 = arith.constant 0 : i32
      %dma_start3A_83 = tpu.memref_slice %arg12[%dma_start3A_82] : memref<8192xi32, #tpu.memory_space<vmem_shared>> -> memref<8192xi32, #tpu.memory_space<vmem_shared>>
      tpu.enqueue_indirect_dma source(%arg11 : memref<128xi32, #tpu.memory_space<vmem>>) target(%dma_start3A_83 : memref<8192xi32, #tpu.memory_space<vmem_shared>>) offsets(%dma_start3A_81 : memref<128xi32, #tpu.memory_space<vmem>>) semaphore(%run_scoped3A_78 : memref<!tpu.dma_semaphore, #tpu.memory_space<semaphore_mem>>) {add = true}
      %dma_wait3A_84 = arith.constant 0 : i32
      %dma_wait3A_85 = tpu.memref_slice %arg8[%run_scoped3A_69, %dma_wait3A_84] : memref<4x128xi32, #tpu.memory_space<vmem>> -> memref<1x128xi32, #tpu.memory_space<vmem>>
      %dma_wait3A_86 = tpu.memref_squeeze %dma_wait3A_85 : memref<1x128xi32, #tpu.memory_space<vmem>> -> memref<128xi32, #tpu.memory_space<vmem>>
      %dma_wait3A_87 = arith.constant 0 : i32
      %dma_wait3A_88 = tpu.memref_slice %arg12[%dma_wait3A_87] : memref<8192xi32, #tpu.memory_space<vmem_shared>> -> memref<8192xi32, #tpu.memory_space<vmem_shared>>
      tpu.wait_indirect_dma semaphore(%run_scoped3A_78 : memref<!tpu.dma_semaphore, #tpu.memory_space<semaphore_mem>>) src(%arg11 : memref<128xi32, #tpu.memory_space<vmem>>) dst(%dma_wait3A_88 : memref<8192xi32, #tpu.memory_space<vmem_shared>>)
      tpu.yield
    }) : () -> ()
    %run_scoped3A_70 = arith.constant 2 : i32
    "tpu.region"() ({
      %run_scoped3A_78 = tpu.sem_alloc : memref<!tpu.dma_semaphore, #tpu.memory_space<semaphore_mem>>
      %dma_start3A_79 = arith.constant 0 : i32
      %dma_start3A_80 = tpu.memref_slice %arg8[%run_scoped3A_70, %dma_start3A_79] : memref<4x128xi32, #tpu.memory_space<vmem>> -> memref<1x128xi32, #tpu.memory_space<vmem>>
      %dma_start3A_81 = tpu.memref_squeeze %dma_start3A_80 : memref<1x128xi32, #tpu.memory_space<vmem>> -> memref<128xi32, #tpu.memory_space<vmem>>
      %dma_start3A_82 = arith.constant 0 : i32
      %dma_start3A_83 = tpu.memref_slice %arg12[%dma_start3A_82] : memref<8192xi32, #tpu.memory_space<vmem_shared>> -> memref<8192xi32, #tpu.memory_space<vmem_shared>>
      tpu.enqueue_indirect_dma source(%arg11 : memref<128xi32, #tpu.memory_space<vmem>>) target(%dma_start3A_83 : memref<8192xi32, #tpu.memory_space<vmem_shared>>) offsets(%dma_start3A_81 : memref<128xi32, #tpu.memory_space<vmem>>) semaphore(%run_scoped3A_78 : memref<!tpu.dma_semaphore, #tpu.memory_space<semaphore_mem>>) {add = true}
      %dma_wait3A_84 = arith.constant 0 : i32
      %dma_wait3A_85 = tpu.memref_slice %arg8[%run_scoped3A_70, %dma_wait3A_84] : memref<4x128xi32, #tpu.memory_space<vmem>> -> memref<1x128xi32, #tpu.memory_space<vmem>>
      %dma_wait3A_86 = tpu.memref_squeeze %dma_wait3A_85 : memref<1x128xi32, #tpu.memory_space<vmem>> -> memref<128xi32, #tpu.memory_space<vmem>>
      %dma_wait3A_87 = arith.constant 0 : i32
      %dma_wait3A_88 = tpu.memref_slice %arg12[%dma_wait3A_87] : memref<8192xi32, #tpu.memory_space<vmem_shared>> -> memref<8192xi32, #tpu.memory_space<vmem_shared>>
      tpu.wait_indirect_dma semaphore(%run_scoped3A_78 : memref<!tpu.dma_semaphore, #tpu.memory_space<semaphore_mem>>) src(%arg11 : memref<128xi32, #tpu.memory_space<vmem>>) dst(%dma_wait3A_88 : memref<8192xi32, #tpu.memory_space<vmem_shared>>)
      tpu.yield
    }) : () -> ()
    %run_scoped3A_71 = arith.constant 3 : i32
    "tpu.region"() ({
      %run_scoped3A_78 = tpu.sem_alloc : memref<!tpu.dma_semaphore, #tpu.memory_space<semaphore_mem>>
      %dma_start3A_79 = arith.constant 0 : i32
      %dma_start3A_80 = tpu.memref_slice %arg8[%run_scoped3A_71, %dma_start3A_79] : memref<4x128xi32, #tpu.memory_space<vmem>> -> memref<1x128xi32, #tpu.memory_space<vmem>>
      %dma_start3A_81 = tpu.memref_squeeze %dma_start3A_80 : memref<1x128xi32, #tpu.memory_space<vmem>> -> memref<128xi32, #tpu.memory_space<vmem>>
      %dma_start3A_82 = arith.constant 0 : i32
      %dma_start3A_83 = tpu.memref_slice %arg12[%dma_start3A_82] : memref<8192xi32, #tpu.memory_space<vmem_shared>> -> memref<8192xi32, #tpu.memory_space<vmem_shared>>
      tpu.enqueue_indirect_dma source(%arg11 : memref<128xi32, #tpu.memory_space<vmem>>) target(%dma_start3A_83 : memref<8192xi32, #tpu.memory_space<vmem_shared>>) offsets(%dma_start3A_81 : memref<128xi32, #tpu.memory_space<vmem>>) semaphore(%run_scoped3A_78 : memref<!tpu.dma_semaphore, #tpu.memory_space<semaphore_mem>>) {add = true}
      %dma_wait3A_84 = arith.constant 0 : i32
      %dma_wait3A_85 = tpu.memref_slice %arg8[%run_scoped3A_71, %dma_wait3A_84] : memref<4x128xi32, #tpu.memory_space<vmem>> -> memref<1x128xi32, #tpu.memory_space<vmem>>
      %dma_wait3A_86 = tpu.memref_squeeze %dma_wait3A_85 : memref<1x128xi32, #tpu.memory_space<vmem>> -> memref<128xi32, #tpu.memory_space<vmem>>
      %dma_wait3A_87 = arith.constant 0 : i32
      %dma_wait3A_88 = tpu.memref_slice %arg12[%dma_wait3A_87] : memref<8192xi32, #tpu.memory_space<vmem_shared>> -> memref<8192xi32, #tpu.memory_space<vmem_shared>>
      tpu.wait_indirect_dma semaphore(%run_scoped3A_78 : memref<!tpu.dma_semaphore, #tpu.memory_space<semaphore_mem>>) src(%arg11 : memref<128xi32, #tpu.memory_space<vmem>>) dst(%dma_wait3A_88 : memref<8192xi32, #tpu.memory_space<vmem_shared>>)
      tpu.yield
    }) : () -> ()
    %barrier3A_72 = arith.constant 0 : index
    tpu.barrier barrier_id(%barrier3A_72)
    %eq3A_73 = arith.constant 0 : i32
    %eq3A_74 = arith.cmpi eq, %arg1, %eq3A_73 : i32
    %convert_element_type3A_75 = arith.extui %eq3A_74 : i1 to i32
    %cond3A_76 = arith.constant 0 : i32
    %cond3A_77 = arith.cmpi ne, %convert_element_type3A_75, %cond3A_76 : i32
    scf.if %cond3A_77 {
      "tpu.region"() ({
        %run_scoped3A_78 = tpu.sem_alloc : memref<!tpu.dma_semaphore, #tpu.memory_space<semaphore_mem>>
        tpu.enqueue_dma source(%arg12 : memref<8192xi32, #tpu.memory_space<vmem_shared>>) target(%arg10 : memref<8192xi32, #tpu.memory_space<vmem>>) target_semaphore(%run_scoped3A_78 : memref<!tpu.dma_semaphore, #tpu.memory_space<semaphore_mem>>)
        tpu.wait_dma2 semaphore(%run_scoped3A_78 : memref<!tpu.dma_semaphore, #tpu.memory_space<semaphore_mem>>) src(%arg12 : memref<8192xi32, #tpu.memory_space<vmem_shared>>) dst(%arg10 : memref<8192xi32, #tpu.memory_space<vmem>>)
        tpu.yield
      }) : () -> ()
      "tpu.region"() ({
        %run_scoped3A_78 = tpu.sem_alloc : memref<!tpu.dma_semaphore, #tpu.memory_space<semaphore_mem>>
        %dma_start3A_79 = arith.constant 0 : i32
        %dma_start3A_80 = tpu.memref_slice %arg7[%arg0, %dma_start3A_79] : memref<2x8192xi32, #tpu.memory_space<hbm>> -> memref<1x8192xi32, #tpu.memory_space<hbm>>
        %dma_start3A_81 = tpu.memref_squeeze %dma_start3A_80 : memref<1x8192xi32, #tpu.memory_space<hbm>> -> memref<8192xi32, #tpu.memory_space<hbm>>
        %dma_start3A_82 = arith.constant 0 : i32
        %dma_start3A_83 = tpu.memref_slice %arg7[%arg0, %dma_start3A_82] : memref<2x8192xi32, #tpu.memory_space<hbm>> -> memref<1x8192xi32, #tpu.memory_space<hbm>>
        %dma_start3A_84 = tpu.memref_squeeze %dma_start3A_83 : memref<1x8192xi32, #tpu.memory_space<hbm>> -> memref<8192xi32, #tpu.memory_space<hbm>>
        tpu.enqueue_dma source(%arg10 : memref<8192xi32, #tpu.memory_space<vmem>>) target(%dma_start3A_84 : memref<8192xi32, #tpu.memory_space<hbm>>) target_semaphore(%run_scoped3A_78 : memref<!tpu.dma_semaphore, #tpu.memory_space<semaphore_mem>>)
        %dma_wait3A_85 = arith.constant 0 : i32
        %dma_wait3A_86 = tpu.memref_slice %arg7[%arg0, %dma_wait3A_85] : memref<2x8192xi32, #tpu.memory_space<hbm>> -> memref<1x8192xi32, #tpu.memory_space<hbm>>
        %dma_wait3A_87 = tpu.memref_squeeze %dma_wait3A_86 : memref<1x8192xi32, #tpu.memory_space<hbm>> -> memref<8192xi32, #tpu.memory_space<hbm>>
        %dma_wait3A_88 = arith.constant 0 : i32
        %dma_wait3A_89 = tpu.memref_slice %arg7[%arg0, %dma_wait3A_88] : memref<2x8192xi32, #tpu.memory_space<hbm>> -> memref<1x8192xi32, #tpu.memory_space<hbm>>
        %dma_wait3A_90 = tpu.memref_squeeze %dma_wait3A_89 : memref<1x8192xi32, #tpu.memory_space<hbm>> -> memref<8192xi32, #tpu.memory_space<hbm>>
        tpu.wait_dma2 semaphore(%run_scoped3A_78 : memref<!tpu.dma_semaphore, #tpu.memory_space<semaphore_mem>>) src(%arg10 : memref<8192xi32, #tpu.memory_space<vmem>>) dst(%dma_wait3A_90 : memref<8192xi32, #tpu.memory_space<hbm>>)
        tpu.yield
      }) : () -> ()
    } else {
    }
    return
  }
}

module attributes {stable_mosaic.version = 14 : i64} {
  func.func @_argmin_body(%arg0: i32, %arg1: memref<1x1024xf32, #tpu.memory_space<vmem>>, %arg2: memref<256x1024xbf16, #tpu.memory_space<vmem>>, %arg3: memref<8192x256xbf16, #tpu.memory_space<vmem>>, %arg4: memref<1x1x1024xi32, #tpu.memory_space<vmem>>) attributes {dimension_semantics = [#tpu.dimension_semantics<arbitrary>], iteration_bounds = array<i64: 16>, scalar_prefetch = 0 : i64, scratch_operands = 0 : i64, tpu.core_type = #tpu.core_type<tc>, window_params = [{transform_indices = @transform_0, window_bounds = array<i64: 1, 1024>}, {transform_indices = @transform_1, window_bounds = array<i64: 256, 1024>}, {pipeline_mode = #tpu.pipeline_mode<synchronous>, transform_indices = @transform_2, window_bounds = array<i64: 8192, 256>}, {transform_indices = @transform_3, window_bounds = array<i64: 1, 1, 1024>}]} {
    %get3A = arith.constant 0 : index
    %get3A_0 = arith.constant 0 : index
    %get3A_1 = vector.load %arg1[%get3A, %get3A_0] : memref<1x1024xf32, #tpu.memory_space<vmem>>, vector<1x1024xf32>
    %get3A_2 = arith.constant 0 : index
    %get3A_3 = arith.constant 0 : index
    %get3A_4 = vector.load %arg2[%get3A_2, %get3A_3] : memref<256x1024xbf16, #tpu.memory_space<vmem>>, vector<256x1024xbf16>
    %get3A_5 = arith.constant 0 : index
    %get3A_6 = arith.constant 0 : index
    %get3A_7 = vector.load %arg3[%get3A_5, %get3A_6] : memref<8192x256xbf16, #tpu.memory_space<vmem>>, vector<4096x256xbf16>
    %dot_general3A = arith.constant dense<0.000000e+00> : vector<4096x1024xf32>
    %dot_general3A_8 = tpu.matmul %get3A_7, %get3A_4, %dot_general3A {dimension_numbers = #tpu.dot_dimension_numbers<[1], [0], [0], [1], [0, 0, 1, 1], [], []>, transpose_lhs_hint = false} : vector<4096x256xbf16>, vector<256x1024xbf16>, vector<4096x1024xf32> -> vector<4096x1024xf32>
    %mul3A = arith.constant 2.000000e+00 : f32
    %mul3A_9 = vector.broadcast %mul3A : f32 to vector<4096x1024xf32>
    %mul3A_10 = arith.mulf %mul3A_9, %dot_general3A_8 : vector<4096x1024xf32>
    %sub3A = vector.broadcast %get3A_1 : vector<1x1024xf32> to vector<4096x1024xf32>
    %sub3A_11 = arith.subf %sub3A, %mul3A_10 : vector<4096x1024xf32>
    %reduce_min3A = arith.constant dense<0x7F800000> : vector<1024xf32>
    %reduce_min3A_12 = vector.multi_reduction <minimumf>, %sub3A_11, %reduce_min3A [0] : vector<4096x1024xf32> to vector<1024xf32>
    %broadcast_in_dim3A = vector.shape_cast %reduce_min3A_12 : vector<1024xf32> to vector<1x1024xf32>
    %iota3A = tpu.iota {dimensions = array<i32: 0>} : vector<4096x1024xi32>
    %eq3A = vector.broadcast %broadcast_in_dim3A : vector<1x1024xf32> to vector<4096x1024xf32>
    %eq3A_13 = arith.cmpf oeq, %sub3A_11, %eq3A : vector<4096x1024xf32>
    %jit3A = arith.constant 1073741824 : i32
    %broadcast_in_dim3A_14 = vector.broadcast %jit3A : i32 to vector<4096x1024xi32>
    %select_n3A = arith.select %eq3A_13, %iota3A, %broadcast_in_dim3A_14 : vector<4096x1024xi1>, vector<4096x1024xi32>
    %reduce_min3A_15 = arith.constant dense<2147483647> : vector<1024xi32>
    %reduce_min3A_16 = vector.multi_reduction <minsi>, %select_n3A, %reduce_min3A_15 [0] : vector<4096x1024xi32> to vector<1024xi32>
    %broadcast_in_dim3A_17 = vector.shape_cast %reduce_min3A_16 : vector<1024xi32> to vector<1x1024xi32>
    %add3A = arith.constant 0 : i32
    %add3A_18 = vector.broadcast %add3A : i32 to vector<1x1024xi32>
    %add3A_19 = arith.addi %broadcast_in_dim3A_17, %add3A_18 : vector<1x1024xi32>
    %get3A_20 = arith.constant 4096 : index
    %get3A_21 = arith.constant 0 : index
    %get3A_22 = vector.load %arg3[%get3A_20, %get3A_21] : memref<8192x256xbf16, #tpu.memory_space<vmem>>, vector<4096x256xbf16>
    %dot_general3A_23 = arith.constant dense<0.000000e+00> : vector<4096x1024xf32>
    %dot_general3A_24 = tpu.matmul %get3A_22, %get3A_4, %dot_general3A_23 {dimension_numbers = #tpu.dot_dimension_numbers<[1], [0], [0], [1], [0, 0, 1, 1], [], []>, transpose_lhs_hint = false} : vector<4096x256xbf16>, vector<256x1024xbf16>, vector<4096x1024xf32> -> vector<4096x1024xf32>
    %mul3A_25 = arith.constant 2.000000e+00 : f32
    %mul3A_26 = vector.broadcast %mul3A_25 : f32 to vector<4096x1024xf32>
    %mul3A_27 = arith.mulf %mul3A_26, %dot_general3A_24 : vector<4096x1024xf32>
    %sub3A_28 = vector.broadcast %get3A_1 : vector<1x1024xf32> to vector<4096x1024xf32>
    %sub3A_29 = arith.subf %sub3A_28, %mul3A_27 : vector<4096x1024xf32>
    %reduce_min3A_30 = arith.constant dense<0x7F800000> : vector<1024xf32>
    %reduce_min3A_31 = vector.multi_reduction <minimumf>, %sub3A_29, %reduce_min3A_30 [0] : vector<4096x1024xf32> to vector<1024xf32>
    %broadcast_in_dim3A_32 = vector.shape_cast %reduce_min3A_31 : vector<1024xf32> to vector<1x1024xf32>
    %iota3A_33 = tpu.iota {dimensions = array<i32: 0>} : vector<4096x1024xi32>
    %eq3A_34 = vector.broadcast %broadcast_in_dim3A_32 : vector<1x1024xf32> to vector<4096x1024xf32>
    %eq3A_35 = arith.cmpf oeq, %sub3A_29, %eq3A_34 : vector<4096x1024xf32>
    %jit3A_36 = arith.constant 1073741824 : i32
    %broadcast_in_dim3A_37 = vector.broadcast %jit3A_36 : i32 to vector<4096x1024xi32>
    %select_n3A_38 = arith.select %eq3A_35, %iota3A_33, %broadcast_in_dim3A_37 : vector<4096x1024xi1>, vector<4096x1024xi32>
    %reduce_min3A_39 = arith.constant dense<2147483647> : vector<1024xi32>
    %reduce_min3A_40 = vector.multi_reduction <minsi>, %select_n3A_38, %reduce_min3A_39 [0] : vector<4096x1024xi32> to vector<1024xi32>
    %broadcast_in_dim3A_41 = vector.shape_cast %reduce_min3A_40 : vector<1024xi32> to vector<1x1024xi32>
    %add3A_42 = arith.constant 4096 : i32
    %add3A_43 = vector.broadcast %add3A_42 : i32 to vector<1x1024xi32>
    %add3A_44 = arith.addi %broadcast_in_dim3A_41, %add3A_43 : vector<1x1024xi32>
    %convert_element_type3A = arith.truncf %broadcast_in_dim3A : vector<1x1024xf32> to vector<1x1024xbf16>
    %convert_element_type3A_45 = arith.extf %convert_element_type3A : vector<1x1024xbf16> to vector<1x1024xf32>
    %lt3A = arith.cmpf olt, %broadcast_in_dim3A_32, %convert_element_type3A_45 : vector<1x1024xf32>
    %select_n3A_46 = arith.select %lt3A, %add3A_44, %add3A_19 : vector<1x1024xi1>, vector<1x1024xi32>
    %reshape3A = vector.shape_cast %select_n3A_46 : vector<1x1024xi32> to vector<1x1x1024xi32>
    %swap3A = arith.constant 0 : index
    %swap3A_47 = arith.constant 0 : index
    %swap3A_48 = arith.constant 0 : index
    %swap3A_49 = vector.load %arg4[%swap3A, %swap3A_47, %swap3A_48] : memref<1x1x1024xi32, #tpu.memory_space<vmem>>, vector<1x1x1024xi32>
    tpu.vector_store %arg4[%swap3A, %swap3A_47, %swap3A_48], %reshape3A {strides = array<i32>} : memref<1x1x1024xi32, #tpu.memory_space<vmem>>, vector<1x1x1024xi32>,
    return
  }
  func.func @transform_0(%arg0: i32) -> (i32, i32) {
    %c0_i32 = arith.constant 0 : i32
    %c0_i32_0 = arith.constant 0 : i32
    return %c0_i32, %arg0 : i32, i32
  }
  func.func @transform_1(%arg0: i32) -> (i32, i32) {
    %c0_i32 = arith.constant 0 : i32
    %c0_i32_0 = arith.constant 0 : i32
    return %c0_i32, %arg0 : i32, i32
  }
  func.func @transform_2(%arg0: i32) -> (i32, i32) {
    %c0_i32 = arith.constant 0 : i32
    %c0_i32_0 = arith.constant 0 : i32
    %c0_i32_1 = arith.constant 0 : i32
    return %c0_i32, %c0_i32_0 : i32, i32
  }
  func.func @transform_3(%arg0: i32) -> (i32, i32, i32) {
    %c0_i32 = arith.constant 0 : i32
    %c0_i32_0 = arith.constant 0 : i32
    %c0_i32_1 = arith.constant 0 : i32
    return %arg0, %c0_i32, %c0_i32_0 : i32, i32, i32
  }
}

module attributes {stable_mosaic.version = 14 : i64} {
  func.func @_epilogue_body(%arg0: i32, %arg1: memref<1024x256xf32, #tpu.memory_space<vmem>>, %arg2: memref<1024x256xf32, #tpu.memory_space<vmem>>, %arg3: memref<2x8192xi32, #tpu.memory_space<vmem>>, %arg4: memref<1024x256xf32, #tpu.memory_space<vmem>>, %arg5: memref<1x1xf32, #tpu.memory_space<vmem>>, %arg6: memref<1x1xf32, #tpu.memory_space<vmem>>, %arg7: memref<1x1xf32, #tpu.memory_space<smem>>) attributes {dimension_semantics = [#tpu.dimension_semantics<arbitrary>], iteration_bounds = array<i64: 16>, scalar_prefetch = 0 : i64, scratch_operands = 1 : i64, tpu.core_type = #tpu.core_type<tc>, window_params = [{transform_indices = @transform_0, window_bounds = array<i64: 1024, 256>}, {transform_indices = @transform_1, window_bounds = array<i64: 1024, 256>}, {pipeline_mode = #tpu.pipeline_mode<synchronous>, transform_indices = @transform_2, window_bounds = array<i64: 2, 8192>}, {transform_indices = @transform_3, window_bounds = array<i64: 1024, 256>}, {pipeline_mode = #tpu.pipeline_mode<synchronous>, transform_indices = @transform_4, window_bounds = array<i64: 1, 1>}, {pipeline_mode = #tpu.pipeline_mode<synchronous>, transform_indices = @transform_5, window_bounds = array<i64: 1, 1>}]} {
    %get3A = arith.constant 0 : index
    %get3A_0 = arith.constant 0 : index
    %get3A_1 = vector.load %arg1[%get3A, %get3A_0] : memref<1024x256xf32, #tpu.memory_space<vmem>>, vector<1024x256xf32>
    %get3A_2 = arith.constant 0 : index
    %get3A_3 = arith.constant 0 : index
    %get3A_4 = vector.load %arg2[%get3A_2, %get3A_3] : memref<1024x256xf32, #tpu.memory_space<vmem>>, vector<1024x256xf32>
    %sub3A = arith.subf %get3A_4, %get3A_1 : vector<1024x256xf32>
    %add3A = arith.addf %get3A_1, %sub3A : vector<1024x256xf32>
    %swap3A = arith.constant 0 : index
    %swap3A_5 = arith.constant 0 : index
    %swap3A_6 = vector.load %arg4[%swap3A, %swap3A_5] : memref<1024x256xf32, #tpu.memory_space<vmem>>, vector<1024x256xf32>
    tpu.vector_store %arg4[%swap3A, %swap3A_5], %add3A {strides = array<i32>} : memref<1024x256xf32, #tpu.memory_space<vmem>>, vector<1024x256xf32>,
    %eq3A = arith.constant 0 : i32
    %eq3A_7 = arith.cmpi eq, %arg0, %eq3A : i32
    %convert_element_type3A = arith.extui %eq3A_7 : i1 to i32
    %cond3A = arith.constant 0 : i32
    %cond3A_8 = arith.cmpi ne, %convert_element_type3A, %cond3A : i32
    scf.if %cond3A_8 {
      %swap3A_25 = arith.constant 0.000000e+00 : f32
      %swap3A_26 = arith.constant 0 : index
      %swap3A_27 = arith.constant 0 : index
      %swap3A_28 = memref.load %arg7[%swap3A_26, %swap3A_27] : memref<1x1xf32, #tpu.memory_space<smem>>
      memref.store %swap3A_25, %arg7[%swap3A_26, %swap3A_27] : memref<1x1xf32, #tpu.memory_space<smem>>
      %get3A_29 = arith.constant 0 : index
      %get3A_30 = arith.constant 0 : index
      %get3A_31 = vector.load %arg3[%get3A_29, %get3A_30] : memref<2x8192xi32, #tpu.memory_space<vmem>>, vector<2x8192xi32>
      %reduce_sum3A_32 = arith.constant dense<0> : vector<8192xi32>
      %reduce_sum3A_33 = vector.multi_reduction <add>, %get3A_31, %reduce_sum3A_32 [0] : vector<2x8192xi32> to vector<8192xi32>
      %gt3A = arith.constant 0 : i32
      %gt3A_34 = vector.broadcast %gt3A : i32 to vector<8192xi32>
      %gt3A_35 = arith.cmpi sgt, %reduce_sum3A_33, %gt3A_34 : vector<8192xi32>
      %convert_element_type3A_36 = arith.extui %gt3A_35 : vector<8192xi1> to vector<8192xi32>
      %convert_element_type3A_37 = arith.sitofp %convert_element_type3A_36 : vector<8192xi32> to vector<8192xf32>
      %reduce_sum3A_38 = vector.shape_cast %convert_element_type3A_37 : vector<8192xf32> to vector<1x8192xf32>
      %reduce_sum3A_39 = arith.constant dense<0.000000e+00> : vector<1xf32>
      %reduce_sum3A_40 = vector.multi_reduction <add>, %reduce_sum3A_38, %reduce_sum3A_39 [1] : vector<1x8192xf32> to vector<1xf32>
      %reduce_sum3A_41 = vector.shape_cast %reduce_sum3A_40 : vector<1xf32> to vector<1x1xf32>
      %reduce_sum3A_42 = vector.extract %reduce_sum3A_41[0, 0] : f32 from vector<1x1xf32>
      %reshape3A = vector.broadcast %reduce_sum3A_42 : f32 to vector<1x1xf32>
      %swap3A_43 = arith.constant 0 : index
      %swap3A_44 = arith.constant 0 : index
      %swap3A_45 = vector.load %arg6[%swap3A_43, %swap3A_44] : memref<1x1xf32, #tpu.memory_space<vmem>>, vector<1x1xf32>
      tpu.vector_store %arg6[%swap3A_43, %swap3A_44], %reshape3A {strides = array<i32>} : memref<1x1xf32, #tpu.memory_space<vmem>>, vector<1x1xf32>,
    } else {
    }
    %get3A_9 = arith.constant 0 : index
    %get3A_10 = arith.constant 0 : index
    %get3A_11 = memref.load %arg7[%get3A_9, %get3A_10] : memref<1x1xf32, #tpu.memory_space<smem>>
    %mul3A = arith.mulf %sub3A, %sub3A : vector<1024x256xf32>
    %reduce_sum3A = vector.shape_cast %mul3A : vector<1024x256xf32> to vector<1x1024x256xf32>
    %reduce_sum3A_12 = arith.constant dense<0.000000e+00> : vector<1xf32>
    %reduce_sum3A_13 = vector.multi_reduction <add>, %reduce_sum3A, %reduce_sum3A_12 [1, 2] : vector<1x1024x256xf32> to vector<1xf32>
    %reduce_sum3A_14 = vector.shape_cast %reduce_sum3A_13 : vector<1xf32> to vector<1x1x1xf32>
    %reduce_sum3A_15 = vector.extract %reduce_sum3A_14[0, 0, 0] : f32 from vector<1x1x1xf32>
    %add3A_16 = arith.addf %get3A_11, %reduce_sum3A_15 : f32
    %swap3A_17 = arith.constant 0 : index
    %swap3A_18 = arith.constant 0 : index
    %swap3A_19 = memref.load %arg7[%swap3A_17, %swap3A_18] : memref<1x1xf32, #tpu.memory_space<smem>>
    memref.store %add3A_16, %arg7[%swap3A_17, %swap3A_18] : memref<1x1xf32, #tpu.memory_space<smem>>
    %eq3A_20 = arith.constant 15 : i32
    %eq3A_21 = arith.cmpi eq, %arg0, %eq3A_20 : i32
    %convert_element_type3A_22 = arith.extui %eq3A_21 : i1 to i32
    %cond3A_23 = arith.constant 0 : i32
    %cond3A_24 = arith.cmpi ne, %convert_element_type3A_22, %cond3A_23 : i32
    scf.if %cond3A_24 {
      %get3A_25 = arith.constant 0 : index
      %get3A_26 = arith.constant 0 : index
      %get3A_27 = memref.load %arg7[%get3A_25, %get3A_26] : memref<1x1xf32, #tpu.memory_space<smem>>
      %reshape3A = vector.broadcast %get3A_27 : f32 to vector<1x1xf32>
      %swap3A_28 = arith.constant 0 : index
      %swap3A_29 = arith.constant 0 : index
      %swap3A_30 = vector.load %arg5[%swap3A_28, %swap3A_29] : memref<1x1xf32, #tpu.memory_space<vmem>>, vector<1x1xf32>
      tpu.vector_store %arg5[%swap3A_28, %swap3A_29], %reshape3A {strides = array<i32>} : memref<1x1xf32, #tpu.memory_space<vmem>>, vector<1x1xf32>,
    } else {
    }
    return
  }
  func.func @transform_0(%arg0: i32) -> (i32, i32) {
    %c0_i32 = arith.constant 0 : i32
    %c0_i32_0 = arith.constant 0 : i32
    return %arg0, %c0_i32 : i32, i32
  }
  func.func @transform_1(%arg0: i32) -> (i32, i32) {
    %c0_i32 = arith.constant 0 : i32
    %c0_i32_0 = arith.constant 0 : i32
    return %arg0, %c0_i32 : i32, i32
  }
  func.func @transform_2(%arg0: i32) -> (i32, i32) {
    %c0_i32 = arith.constant 0 : i32
    %c0_i32_0 = arith.constant 0 : i32
    %c0_i32_1 = arith.constant 0 : i32
    return %c0_i32, %c0_i32_0 : i32, i32
  }
  func.func @transform_3(%arg0: i32) -> (i32, i32) {
    %c0_i32 = arith.constant 0 : i32
    %c0_i32_0 = arith.constant 0 : i32
    return %arg0, %c0_i32 : i32, i32
  }
  func.func @transform_4(%arg0: i32) -> (i32, i32) {
    %c0_i32 = arith.constant 0 : i32
    %c0_i32_0 = arith.constant 0 : i32
    %c0_i32_1 = arith.constant 0 : i32
    return %c0_i32, %c0_i32_0 : i32, i32
  }
  func.func @transform_5(%arg0: i32) -> (i32, i32) {
    %c0_i32 = arith.constant 0 : i32
    %c0_i32_0 = arith.constant 0 : i32
    %c0_i32_1 = arith.constant 0 : i32
    return %c0_i32, %c0_i32_0 : i32, i32
  }
}

</mosaic_0001>

<sc_bundles>
// kernel: kernel.5.cloned.1.call-start
scs
__scs_entry_jumppad:
0x0: {  	(pc) =	sbr.rel $0x88, $3  }
0x1: {  	(tag) =	ssettag $0x0;
	lr =	simm.s32 $0x1  }
0x2: {  	[smem:$0x3F9F] =	sst lr;
	_ =	strace $0xD0000000  }
0x3: {  	_ = 	snop  }
0x4: {  	_ = 	snop  }
0x5: {  	_ = 	snop  }
0x6: {  	_ = 	snop  }
0x7: {  	_ = 	snop  }
__scs_overlays_trampoline_lowered:
0x8: {  	[smem:$0x3FAE] =	sst s0  }
0x9: {  	[smem:$0x3FAF] =	sst s1  }
0xa: {  	[smem:$0x3FB0] =	sst s2  }
0xb: {  	[smem:$0x3FB1] =	sst s3  }
0xc: {  	[smem:$0x3FB2] =	sst s4  }
0xd: {  	[smem:$0x3FB3] =	sst s5  }
0xe: {  	[smem:$0x3FB4] =	sst s6  }
0xf: {  	[smem:$0x3FB5] =	sst s7  }
0x10: {  	[smem:$0x3FB6] =	sst s8  }
0x11: {  	[smem:$0x3FB7] =	sst s9;
	s0 =	simm.s32 @!p0 $0x0  }
0x12: {  	s1 =	sld [smem:$0x3F9D];
	s0 =	simm.s32 @p0 $0x1  }
0x13: {  	[smem:$0x3FB8] =	sst s0;
	s0 =	simm.s32 @!p1 $0x0  }
0x14: {  	s2 =	sld [smem:$0x3F9C];
	s0 =	simm.s32 @p1 $0x1  }
0x15: {  	[smem:$0x3FB9] =	sst s0;
	s0 =	simm.s32 @!p2 $0x0  }
0x16: {  	s3 =	sld [smem:$0x3FDB];
	s0 =	simm.s32 @p2 $0x1  }
0x17: {  	s4 =	simm.s32 $0x1BF5;
	[smem:$0x3FBB] =	sst s0  }
0x18: {  	s0 =	sld [smem:$0x3F9E];
	_ =	swait.ge [sflag:s4], $0x0  }
0x19: {  	s7 =	sld [smem:$0x3F9F]  }
0x1a: {  	s8 =	sadd.s32 $0xFFFFE003, lr  }
0x1b: {  	s9 =	sadd.s32 $0xFFFFFEF7, lr;
	s5 =	simm.s32 $0xFFFFFFFF;
	p2 =	slt.u32 s8, $0xFFFFF086  }
0x1c: {  	p1 =	slt.u32 s9, $0xF7A;
	s5 =	simm.s32 @!p2 $0x0  }
0x1d: {  	s5 =	simm.s32 @p1 $0x1;
	p0 =	seq.s32 s7, s2  }
0x1e: {  	s7 =	smul.u32 @!p0 $0xF7A, s2;
	p2 =	seq.s32 @!p0 s5, $0x0  }
0x1f: {  	s9 =	smul.u32 $0xF7A, s1;
	s8 =	simm.s32 @!p0 $0x1BF5;
	p2 =	por !p2, p0  }
0x20: {  	[sflag:s8] =	ssyncset.s32 @!p0 $0xFFFFF086;
	s6 =	sadd.s32 @!p0 s3, s7;
	s7 =	simm.s32 @!p0 $0x108  }
0x21: {  	s3 =	sadd.s32 s3, s9;
	s6 =	sadd.s32 @!p0 $0x88, s6;
	s7 =	simm.s32 @p2 $0x1082  }
0x22: {  	[simem:s7], [sflag:s8] =	dma.local @!p0 [hbm:s6], $0xF7A  }
0x23: {  	s9 =	sor.u32 $0xD0000000, s2;
	s6 =	simm.s32 $0x108;
	_ =	swait.ge @!p0 [sflag:s8], $0x0  }
0x24: {  	s3 =	sadd.s32 $0x88, s3;
	s6 =	simm.s32 @!p1 $0x1082;
	[sflag:s4] =	ssyncset.s32 $0xFFFFF086  }
0x25: {  	[simem:s6], [sflag:s4] =	dma.local [hbm:s3], $0xF7A  }
0x26: {  	[smem:$0x3F9F] =	sst s1;
	(tag) =	ssettag s2;
	_ =	strace s9  }
0x27: {  	s1 =	sld [smem:$0x3FAF]  }
0x28: {  	s2 =	sld [smem:$0x3FB0]  }
0x29: {  	s4 =	sld [smem:$0x3FB2]  }
0x2a: {  	p0 =	seq.s32 s5, $0x0;
	s5 =	sld [smem:$0x3FB3]  }
0x2b: {  	s6 =	sld [smem:$0x3FB4]  }
0x2c: {  	s7 =	sld [smem:$0x3FB5]  }
0x2d: {  	s3 =	simm.s32 $0x108;
	s8 =	sld [smem:$0x3FB6]  }
0x2e: {  	s3 =	simm.s32 @!p0 $0x1082;
	s9 =	sld [smem:$0x3FB7]  }
0x2f: {  	lr =	sadd.s32 s0, s3;
	s0 =	sld [smem:$0x3FAE]  }
0x30: {  	s3 =	sld [smem:$0x3FB1]  }
0x31: {  	[smem:$0x3FBA] =	sst s10  }
0x32: {  	s10 =	sld [smem:$0x3FB8];
	_ =	sdelay $0x3  }
0x33: {  	p0 =	seq.s32 s10, $0x1;
	s10 =	sld [smem:$0x3FBA];
	_ =	sdelay $0x3  }
0x34: {  	[smem:$0x3FBA] =	sst s10  }
0x35: {  	s10 =	sld [smem:$0x3FB9];
	_ =	sdelay $0x3  }
0x36: {  	p1 =	seq.s32 s10, $0x1;
	s10 =	sld [smem:$0x3FBA];
	_ =	sdelay $0x3  }
0x37: {  	[smem:$0x3FBA] =	sst s10  }
0x38: {  	s10 =	sld [smem:$0x3FBB]  }
0x39: {  	_ = 	snop;
	(pc) =	sbr.ind lr, $3  }
0x3a: {  	_ = 	snop  }
0x3b: {  	_ = 	snop  }
0x3c: {  	p2 =	seq.s32 s10, $0x1;
	s10 =	sld [smem:$0x3FBA]  }
0x3d: {  	_ =	shalt  }
0x3e: {  	_ =	shalt  }
0x3f: {  	_ =	shalt  }
0x40: {  	_ =	shalt  }
0x41: {  	_ =	shalt  }
0x42: {  	_ =	shalt  }
0x43: {  	_ =	shalt  }
0x44: {  	_ =	shalt  }
0x45: {  	_ =	shalt  }
0x46: {  	_ =	shalt  }
0x47: {  	_ =	shalt  }
0x48: {  	_ =	shalt  }
0x49: {  	_ =	shalt  }
0x4a: {  	_ =	shalt  }
0x4b: {  	_ =	shalt  }
0x4c: {  	_ =	shalt  }
0x4d: {  	_ =	shalt  }
0x4e: {  	_ =	shalt  }
0x4f: {  	_ =	shalt  }
0x50: {  	_ =	shalt  }
0x51: {  	_ =	shalt  }
0x52: {  	_ =	shalt  }
0x53: {  	_ =	shalt  }
0x54: {  	_ =	shalt  }
0x55: {  	_ =	shalt  }
0x56: {  	_ =	shalt  }
0x57: {  	_ =	shalt  }
0x58: {  	_ =	shalt  }
0x59: {  	_ =	shalt  }
0x5a: {  	_ =	shalt  }
0x5b: {  	_ =	shalt  }
0x5c: {  	_ =	shalt  }
0x5d: {  	_ =	shalt  }
0x5e: {  	_ =	shalt  }
0x5f: {  	_ =	shalt  }
0x60: {  	_ =	shalt  }
0x61: {  	_ =	shalt  }
0x62: {  	_ =	shalt  }
0x63: {  	_ =	shalt  }
0x64: {  	_ =	shalt  }
0x65: {  	_ =	shalt  }
0x66: {  	_ =	shalt  }
0x67: {  	_ =	shalt  }
0x68: {  	_ =	shalt  }
0x69: {  	_ =	shalt  }
0x6a: {  	_ =	shalt  }
0x6b: {  	_ =	shalt  }
0x6c: {  	_ =	shalt  }
0x6d: {  	_ =	shalt  }
0x6e: {  	_ =	shalt  }
0x6f: {  	_ =	shalt  }
0x70: {  	_ =	shalt  }
0x71: {  	_ =	shalt  }
0x72: {  	_ =	shalt  }
0x73: {  	_ =	shalt  }
0x74: {  	_ =	shalt  }
0x75: {  	_ =	shalt  }
0x76: {  	_ =	shalt  }
0x77: {  	_ =	shalt  }
0x78: {  	_ =	shalt  }
0x79: {  	_ =	shalt  }
0x7a: {  	_ =	shalt  }
0x7b: {  	_ =	shalt  }
0x7c: {  	_ =	shalt  }
0x7d: {  	_ =	shalt  }
0x7e: {  	_ =	shalt  }
0x7f: {  	_ =	shalt  }
0x80: {  	_ =	shalt  }
0x81: {  	_ =	shalt  }
0x82: {  	_ =	shalt  }
0x83: {  	_ =	shalt  }
0x84: {  	_ =	shalt  }
0x85: {  	_ =	shalt  }
0x86: {  	_ =	shalt  }
0x87: {  	_ =	shalt  }
.Lfunc_end0:
.L_simem_size_0:
called_computation_lowered:
.L_overlay_start_0:
0x88: {  	s2 =	sld [smem:$0x3FD9]  }
0x89: {  	s3 =	sld [smem:$0x3FFE];
	_ =	sdelay $0x1  }
0x8a: {  	s1 =	srdreg.scid  }
0x8b: {  	s0 =	sand.u32 $0x1, s1  }
0x8c: {  	s14 =	sshll.u32 s0, $0xA;
	s2 =	sadd.s32 s3, s2  }
0x8d: {  	s2 =	sadd.s32 s2, s14  }
0x8e: {  	[smem:$0x3FC6] =	sst s2  }
0x8f: {  	_ = 	snop  }
0x90: {  	s2 =	sld [smem:$0x3FD0];
	_ =	sdelay $0x2  }
0x91: {  	s4 =	simm.s32 $0xA;
	s5 =	simm.s32 $0x10;
	s15 =	sld [smem:$0x3FC8]  }
0x92: {  	[smem:s5], [sflag:s4] =	dma.local [hbm:s2], $0x1  }
0x93: {  	_ =	swait.eq [sflag:s4], $0x1  }
0x94: {  	[sflag:s4] =	ssyncset.done $0x0  }
0x95: {  	s16 =	sld [smem:$0x10];
	[sflag:s4] =	ssyncadd.s32 $0xFFFFFFFF  }
0x96: {  	s17 =	sld [smem:$0x12];
	(tm) =	ssettm $0x1  }
0x97: {  	s18 =	sld [smem:$0x3FFB];
	_ =	sdelay $0x3  }
0x98: {  	_ =	strace s18  }
0x99: {  	s5 =	sld [smem:$0x3FFC];
	_ =	sdelay $0x3  }
0x9a: {  	_ =	strace s5  }
0x9b: {  	s5 =	sld [smem:$0x3FFD];
	_ =	sdelay $0x3  }
0x9c: {  	_ =	strace s5  }
0x9d: {  	_ =	strace $0x8FFFFFFF  }
0x9e: {  	s19 =	sld [smem:$0x3FDB];
	_ =	sdelay $0x1  }
0x9f: {  	s6 =	simm.s32 $_scs_section_size  }
0xa0: {  	s7 =	simm.s32 $_size__tile_overlayer_lowered;
	s8 =	simm.s32 $_tile_overlayer_lowered  }
0xa1: {  	s22 =	simm.s32 $0x1BFF;
	s21 =	sshll.u32 s8, $0x1;
	s5 =	sadd.s32 s6, s19  }
0xa2: {  	s9 =	simm.s32 $0x0;
	s20 =	sshll.u32 s7, $0x1;
	s7 =	sadd.s32 s21, s5  }
0xa3: {  	[timem:s9], [sflag:s22] =	dma.local [hbm:s7], s20  }
0xa4: {  	_ =	swait.ge [sflag:s22], s20  }
0xa5: {  	s6 =	ssub.s32 $0x0, s20;
	[sflag:s22] =	ssyncset.done $0x0  }
0xa6: {  	[sflag:s22] =	ssyncadd.s32 s6;
	_ =	sdelay $0x1  }
0xa7: {  	s23 =	simm.s32 $0x1B8B  }
0xa8: {  	_ =	swait.ge [sflag:s23], $0x1  }
0xa9: {  	[sflag:s23] =	ssyncset.done $0x0  }
0xaa: {  	s25 =	simm.s32 $0x1B8E;
	s24 =	sld [smem:$0x3FFE];
	[sflag:s23] =	ssyncadd.s32 $0xFFFFFFFF  }
0xab: {  	s26 =	simm.s32 $execute0_lowered;
	[smem:$0x3FD2] =	sst s25  }
0xac: {  	s7 =	sshll.u32 s26, $0x1;
	_ =	strace $0x80000046;
	[dreg:$0x1] =	wrdreg $0xFFFFFFFF  }
0xad: {  	s28 =	simm.s32 $_size_execute0_lowered;
	s5 =	sadd.s32 s5, s7;
	[dreg:$0x0] =	wrdreg $0x0  }
0xae: {  	s7 =	sshll.u32 s28, $0x1;
	[dreg:$0x2] =	wrdreg s5  }
0xaf: {  	[dreg:$0x3] =	wrdreg s7  }
0xb0: {  	[dreg:$0x4] =	wrdreg $0xC0  }
0xb1: {  	_ =	task [dreg:s9], $0x5FFFF  }
0xb2: {  	[dreg:$0x1] =	wrdreg $0xFFFFFFFF  }
0xb3: {  	[dreg:$0x0] =	wrdreg $0x60  }
0xb4: {  	[dreg:$0x2] =	wrdreg s15  }
0xb5: {  	[dreg:$0x3] =	wrdreg s16  }
0xb6: {  	[dreg:$0x4] =	wrdreg s24  }
0xb7: {  	[dreg:$0x5] =	wrdreg s17  }
0xb8: {  	[dreg:$0x6] =	wrdreg $0xA2800  }
0xb9: {  	[dreg:$0x7] =	wrdreg $0x9  }
0xba: {  	_ =	task.clear_ibuf [dreg:s9], $0x8FFFF;
	_ =	strace $0x90000046  }
0xbb: {  	s29 =	simm.s32 $0x9;
	_ =	strace $0x80000048  }
0xbc: {  	_ =	swait.ge [sflag:s29], $0x1  }
0xbd: {  	[sflag:s29] =	ssyncadd.s32 $0xFFFFFFFF  }
0xbe: {  	_ =	strace $0x90000048  }
0xbf: {  	_ =	sfence  }
0xc0: {  	s30 =	sld [smem:$0x0];
	_ =	sdelay $0x2  }
0xc1: {  	s31 =	sshll.u32 s1, $0xD;
	s1 =	sshrl.u32 s1, $0x2  }
0xc2: {  	s3 =	sand.u32 $0x4000, s31;
	s1 =	sadd.s32 s1, s30  }
0xc3: {  	s0 =	sor.u32 s3, s0;
	s1 =	sshll.u32 s1, $0x11  }
0xc4: {  	s0 =	sor.u32 s1, s0  }
0xc5: {  	s0 =	sadd.s32 $0x8F2B, s0  }
0xc6: {  	[sflag:s0] =	ssyncadd.remote.s32 $0x1  }
0xc7: {  	_ =	sfence.sel $0xFFFF  }
0xc8: {  	[dreg:$0x0] =	wrdreg $0xFFFFFFFF;
	(pc) =	sbr.abs _section_cstart, $3  }
0xc9: {  	[dreg:$0x1] =	wrdreg $0xFFFFFFFF  }
0xca: {  	_ =	task.clear_ibuf [dreg:s9], $0x2FFFF;
	_ =	strace $0x9FFFFFFF  }
0xcb: {  	(tm) =	ssettm $0x7FFFFFFF  }
tec
execute0_lowered:
.L_overlay_start_1:
0x0: {  	(tag) =	ssettag $0x1  }
0x1: {  	s0 =	rddreg [dreg:$0x0]  }
0x2: {  	s4 =	rddreg [dreg:$0x1]  }
0x3: {  	s5 =	rddreg [dreg:$0x2]  }
0x4: {  	s1 =	rddreg [dreg:$0x3]  }
0x5: {  	s2 =	rddreg [dreg:$0x4]  }
0x6: {  	s3 =	simm.s32 $0x0;
	s6 =	srdreg.scid;
	s8 =	stileid.u32  }
0x7: {  	s12 =	simm.s32 $0x3200;
	s13 =	simm.s32 $0x3A00;
	s14 =	simm.s32 $0x4200  }
0x8: {  	s15 =	simm.s32 $0x4A00;
	s16 =	simm.s32 $0x5200;
	s17 =	simm.s32 $0x5A00  }
0x9: {  	s18 =	simm.s32 $0x6200;
	s19 =	simm.s32 $0x6A00;
	[dreg:$0x7] =	wrdreg s1  }
0xa: {  	s20 =	simm.s32 $0x7200;
	[smem:$0x7FF] =	sst s3;
	s7 =	sadd.s32 $0x1200, s5  }
0xb: {  	s6 =	sand.u32 $0x1, s6;
	s9 =	sshll.u32 s8, $0xF;
	s21 =	sshll.u32 s8, $0x7  }
0xc: {  	p0 =	sne.s32 s8, $0x0;
	s8 =	simm.s32 $0x1200;
	_ =	strace $0x80000047  }
0xd: {  	s10 =	sshll.u32 s6, $0xE;
	s11 =	sshll.u32 s6, $0x6;
	[dreg:$0x6] =	wrdreg s7  }
0xe: {  	s24 =	sshll.u32 s6, $0x4;
	s6 =	ssub.s32 $0x2, s6;
	s7 =	simm.s32 $0xA00  }
0xf: {  	s9 =	sor.u32 s10, s9;
	s4 =	sadd.s32 s4, s11;
	s29 =	sshrl.u32 s6, $0x1  }
0x10: {  	s10 =	simm.s32 $0x2200;
	s11 =	simm.s32 $0x2A00;
	s22 =	sadd.s32 s9, s5  }
0x11: {  	s4 =	sadd.s32 s21, s4;
	s5 =	sadd.s32 s24, s5;
	s31 =	ssub.s32 s6, s29  }
0x12: {  	s6 =	simm.s32 $0x200;
	[dreg:$0x8] =	wrdreg s4;
	s23 =	sadd.s32 $0x1E00, s22  }
0x13: {  	s9 =	simm.s32 $0x1A00;
	s25 =	sadd.s32 $0x2E00, s22;
	[dreg:$0x9] =	wrdreg s23  }
0x14: {  	s21 =	simm.s32 $0x7A00;
	s26 =	sadd.s32 $0x3E00, s22;
	[dreg:$0xa] =	wrdreg s25  }
0x15: {  	s24 =	simm.s32 $0x80;
	s28 =	sadd.s32 $0x4E00, s22;
	[dreg:$0xb] =	wrdreg s26  }
0x16: {  	v2 =	vlaneseq.u32;
	s30 =	sadd.s32 $0x1600, s5;
	s4 =	smax.u32 s31, $0x1;
	[dreg:$0xc] =	wrdreg s28  }
0x17: {  	vm0 =	vmmov $0xffff;
	v1 =	vshrl.u32 v2, $0x3;
	s5 =	simm.s32 $0x2;
	s22 =	simm.s32 $0x1;
	[dreg:$0xd] =	wrdreg s30  }
0x18: {  	v0 =	vand.u32 $0x7, v2;
	v2 =	vor.u32 $0x8, v2;
	v1 =	vmul.u32 $0x8, v1;
	s23 =	simm.s32 $0xA200;
	s25 =	simm.s32 $0x100;
	s26 =	simm.s32 $0x180  }
.LBB2_1:
0x19: {  	s28 =	rddreg [dreg:$0x8]  }
0x1a: {  	[tilespmem:s3], [sflag:$0x2] =	stream.linear.gather [hbm4b:s28+s3], $0x200, $0x38;
	[tilespmem:$0xA480] =	vst v63  }
0x1b: {  	_ =	swait.ge [sflag:s5], $0x200  }
0x1c: {  	[sflag:s5] =	ssyncset.done $0x0  }
0x1d: {  	[sflag:s5] =	ssyncadd.s32 $0xFFFFFE00  }
0x1e: {  	v3 =	vld [tilespmem:$0x0];
	_ =	sdelay $0x4  }
0x1f: {  	v4 =	vshll.u32 v3, $0x1  }
0x20: {  	v3 =	vand.u32 $0x7, v3;
	v4 =	vand.u32 $0xFFFFFFF0, v4  }
0x21: {  	v3 =	vor.u32 v3, v4  }
0x22: {  	v4 =	vperm.xlane v3, v0;
	_ =	sdelay $0x1  }
0x23: {  	v3 =	vperm.xlane v3, v2;
	v4 =	vadd.s32 v1, v4;
	_ =	sdelay $0x1  }
0x24: {  	v3 =	vadd.s32 v1, v3;
	_ =	sdelay $0x2  }
0x25: {  	[tilespmem:s6], [sflag:$0x1] =	stream.indirect_vreg.gather [hbm4b:s0+s3], $0x80, v4, vm0, $0xb8;
	[tilespmem:$0xA480] =	vst v63  }
0x26: {  	_ = 	snop  }
0x27: {  	[tilespmem:s7], [sflag:$0x1] =	stream.indirect_vreg.gather [hbm4b:s0+s3], $0x80, v3, vm0, $0xb8;
	[tilespmem:$0xA480] =	vst v63  }
0x28: {  	v3 =	vld [tilespmem:$0x10];
	_ =	sdelay $0x4  }
0x29: {  	v33 =	vshll.u32 v3, $0x1  }
0x2a: {  	v3 =	vand.u32 $0x7, v3;
	v4 =	vand.u32 $0xFFFFFFF0, v33  }
0x2b: {  	v3 =	vor.u32 v3, v4  }
0x2c: {  	v4 =	vperm.xlane v3, v0;
	_ =	sdelay $0x1  }
0x2d: {  	v3 =	vperm.xlane v3, v2;
	v4 =	vadd.s32 v1, v4;
	_ =	sdelay $0x1  }
0x2e: {  	v3 =	vadd.s32 v1, v3;
	_ =	sdelay $0x2  }
0x2f: {  	[tilespmem:s8], [sflag:$0x1] =	stream.indirect_vreg.gather [hbm4b:s0+s3], $0x80, v4, vm0, $0xb8;
	[tilespmem:$0xA480] =	vst v63  }
0x30: {  	_ = 	snop  }
0x31: {  	[tilespmem:s9], [sflag:$0x1] =	stream.indirect_vreg.gather [hbm4b:s0+s3], $0x80, v3, vm0, $0xb8;
	[tilespmem:$0xA480] =	vst v63  }
0x32: {  	v3 =	vld [tilespmem:$0x20];
	_ =	sdelay $0x4  }
0x33: {  	v34 =	vshll.u32 v3, $0x1  }
0x34: {  	v3 =	vand.u32 $0x7, v3;
	v4 =	vand.u32 $0xFFFFFFF0, v34  }
0x35: {  	v3 =	vor.u32 v3, v4  }
0x36: {  	v4 =	vperm.xlane v3, v0;
	_ =	sdelay $0x1  }
0x37: {  	v3 =	vperm.xlane v3, v2;
	v4 =	vadd.s32 v1, v4;
	_ =	sdelay $0x1  }
0x38: {  	v3 =	vadd.s32 v1, v3;
	_ =	sdelay $0x2  }
0x39: {  	[tilespmem:s10], [sflag:$0x1] =	stream.indirect_vreg.gather [hbm4b:s0+s3], $0x80, v4, vm0, $0xb8;
	[tilespmem:$0xA480] =	vst v63  }
0x3a: {  	_ = 	snop  }
0x3b: {  	[tilespmem:s11], [sflag:$0x1] =	stream.indirect_vreg.gather [hbm4b:s0+s3], $0x80, v3, vm0, $0xb8;
	[tilespmem:$0xA480] =	vst v63  }
0x3c: {  	v3 =	vld [tilespmem:$0x30];
	_ =	sdelay $0x4  }
0x3d: {  	v35 =	vshll.u32 v3, $0x1  }
0x3e: {  	v3 =	vand.u32 $0x7, v3;
	v4 =	vand.u32 $0xFFFFFFF0, v35  }
0x3f: {  	v3 =	vor.u32 v3, v4  }
0x40: {  	v4 =	vperm.xlane v3, v0;
	_ =	sdelay $0x1  }
0x41: {  	v3 =	vperm.xlane v3, v2;
	v4 =	vadd.s32 v1, v4;
	_ =	sdelay $0x1  }
0x42: {  	v3 =	vadd.s32 v1, v3;
	_ =	sdelay $0x2  }
0x43: {  	[tilespmem:s12], [sflag:$0x1] =	stream.indirect_vreg.gather [hbm4b:s0+s3], $0x80, v4, vm0, $0xb8;
	[tilespmem:$0xA480] =	vst v63  }
0x44: {  	_ = 	snop  }
0x45: {  	[tilespmem:s13], [sflag:$0x1] =	stream.indirect_vreg.gather [hbm4b:s0+s3], $0x80, v3, vm0, $0xb8;
	[tilespmem:$0xA480] =	vst v63  }
0x46: {  	v3 =	vld [tilespmem:$0x40];
	_ =	sdelay $0x4  }
0x47: {  	v36 =	vshll.u32 v3, $0x1  }
0x48: {  	v3 =	vand.u32 $0x7, v3;
	v4 =	vand.u32 $0xFFFFFFF0, v36  }
0x49: {  	v3 =	vor.u32 v3, v4  }
0x4a: {  	v4 =	vperm.xlane v3, v0;
	_ =	sdelay $0x1  }
0x4b: {  	v3 =	vperm.xlane v3, v2;
	v4 =	vadd.s32 v1, v4;
	_ =	sdelay $0x1  }
0x4c: {  	v3 =	vadd.s32 v1, v3;
	_ =	sdelay $0x2  }
0x4d: {  	[tilespmem:s14], [sflag:$0x1] =	stream.indirect_vreg.gather [hbm4b:s0+s3], $0x80, v4, vm0, $0xb8;
	[tilespmem:$0xA480] =	vst v63  }
0x4e: {  	_ = 	snop  }
0x4f: {  	[tilespmem:s15], [sflag:$0x1] =	stream.indirect_vreg.gather [hbm4b:s0+s3], $0x80, v3, vm0, $0xb8;
	[tilespmem:$0xA480] =	vst v63  }
0x50: {  	v3 =	vld [tilespmem:$0x50];
	_ =	sdelay $0x4  }
0x51: {  	v37 =	vshll.u32 v3, $0x1  }
0x52: {  	v3 =	vand.u32 $0x7, v3;
	v4 =	vand.u32 $0xFFFFFFF0, v37  }
0x53: {  	v3 =	vor.u32 v3, v4  }
0x54: {  	v4 =	vperm.xlane v3, v0;
	_ =	sdelay $0x1  }
0x55: {  	v3 =	vperm.xlane v3, v2;
	v4 =	vadd.s32 v1, v4;
	_ =	sdelay $0x1  }
0x56: {  	v3 =	vadd.s32 v1, v3;
	_ =	sdelay $0x2  }
0x57: {  	[tilespmem:s16], [sflag:$0x1] =	stream.indirect_vreg.gather [hbm4b:s0+s3], $0x80, v4, vm0, $0xb8;
	[tilespmem:$0xA480] =	vst v63  }
0x58: {  	_ = 	snop  }
0x59: {  	[tilespmem:s17], [sflag:$0x1] =	stream.indirect_vreg.gather [hbm4b:s0+s3], $0x80, v3, vm0, $0xb8;
	[tilespmem:$0xA480] =	vst v63  }
0x5a: {  	v3 =	vld [tilespmem:$0x60];
	_ =	sdelay $0x4  }
0x5b: {  	v38 =	vshll.u32 v3, $0x1  }
0x5c: {  	v3 =	vand.u32 $0x7, v3;
	v4 =	vand.u32 $0xFFFFFFF0, v38  }
0x5d: {  	v3 =	vor.u32 v3, v4  }
0x5e: {  	v4 =	vperm.xlane v3, v0;
	_ =	sdelay $0x1  }
0x5f: {  	v3 =	vperm.xlane v3, v2;
	v4 =	vadd.s32 v1, v4;
	_ =	sdelay $0x1  }
0x60: {  	v3 =	vadd.s32 v1, v3;
	_ =	sdelay $0x2  }
0x61: {  	[tilespmem:s18], [sflag:$0x1] =	stream.indirect_vreg.gather [hbm4b:s0+s3], $0x80, v4, vm0, $0xb8;
	[tilespmem:$0xA480] =	vst v63  }
0x62: {  	_ = 	snop  }
0x63: {  	[tilespmem:s19], [sflag:$0x1] =	stream.indirect_vreg.gather [hbm4b:s0+s3], $0x80, v3, vm0, $0xb8;
	[tilespmem:$0xA480] =	vst v63  }
0x64: {  	v3 =	vld [tilespmem:$0x70];
	_ =	sdelay $0x4  }
0x65: {  	v39 =	vshll.u32 v3, $0x1  }
0x66: {  	v3 =	vand.u32 $0x7, v3;
	v4 =	vand.u32 $0xFFFFFFF0, v39  }
0x67: {  	v3 =	vor.u32 v3, v4  }
0x68: {  	v4 =	vperm.xlane v3, v0;
	_ =	sdelay $0x1  }
0x69: {  	v3 =	vperm.xlane v3, v2;
	v4 =	vadd.s32 v1, v4;
	_ =	sdelay $0x1  }
0x6a: {  	v3 =	vadd.s32 v1, v3;
	_ =	sdelay $0x2  }
0x6b: {  	[tilespmem:s20], [sflag:$0x1] =	stream.indirect_vreg.gather [hbm4b:s0+s3], $0x80, v4, vm0, $0xb8;
	[tilespmem:$0xA480] =	vst v63  }
0x6c: {  	_ = 	snop  }
0x6d: {  	[tilespmem:s21], [sflag:$0x1] =	stream.indirect_vreg.gather [hbm4b:s0+s3], $0x80, v3, vm0, $0xb8;
	[tilespmem:$0xA480] =	vst v63  }
0x6e: {  	_ =	swait.ge [sflag:s22], $0x8000  }
0x6f: {  	[sflag:s22] =	ssyncset.done $0x0  }
0x70: {  	s31 =	rddreg [dreg:$0x9];
	[sflag:s22] =	ssyncadd.s32 $0xFFFF8000  }
0x71: {  	[hbm4b:s31+s3] =	stream.linear.scatter [tilespmem:s6], [sflag:$0x2], $0x8000, $0x38;
	[tilespmem:$0xA480] =	vst v63  }
0x72: {  	_ =	swait.ge [sflag:s5], $0x8000  }
0x73: {  	[sflag:s5] =	ssyncset.done $0x0  }
0x74: {  	[sflag:s5] =	ssyncadd.s32 $0xFFFF8000  }
0x75: {  	v3 =	vld [tilespmem:$0x80];
	_ =	sdelay $0x4  }
0x76: {  	v40 =	vshll.u32 v3, $0x1  }
0x77: {  	v3 =	vand.u32 $0x7, v3;
	v4 =	vand.u32 $0xFFFFFFF0, v40  }
0x78: {  	v3 =	vor.u32 v3, v4  }
0x79: {  	v4 =	vperm.xlane v3, v0;
	_ =	sdelay $0x1  }
0x7a: {  	v3 =	vperm.xlane v3, v2;
	v4 =	vadd.s32 v1, v4;
	_ =	sdelay $0x1  }
0x7b: {  	v3 =	vadd.s32 v1, v3;
	_ =	sdelay $0x2  }
0x7c: {  	[tilespmem:s6], [sflag:$0x1] =	stream.indirect_vreg.gather [hbm4b:s0+s3], $0x80, v4, vm0, $0xb8;
	[tilespmem:$0xA480] =	vst v63  }
0x7d: {  	_ = 	snop  }
0x7e: {  	[tilespmem:s7], [sflag:$0x1] =	stream.indirect_vreg.gather [hbm4b:s0+s3], $0x80, v3, vm0, $0xb8;
	[tilespmem:$0xA480] =	vst v63  }
0x7f: {  	v3 =	vld [tilespmem:$0x90];
	_ =	sdelay $0x4  }
0x80: {  	v41 =	vshll.u32 v3, $0x1  }
0x81: {  	v3 =	vand.u32 $0x7, v3;
	v4 =	vand.u32 $0xFFFFFFF0, v41  }
0x82: {  	v3 =	vor.u32 v3, v4  }
0x83: {  	v4 =	vperm.xlane v3, v0;
	_ =	sdelay $0x1  }
0x84: {  	v3 =	vperm.xlane v3, v2;
	v4 =	vadd.s32 v1, v4;
	_ =	sdelay $0x1  }
0x85: {  	v3 =	vadd.s32 v1, v3;
	_ =	sdelay $0x2  }
0x86: {  	[tilespmem:s8], [sflag:$0x1] =	stream.indirect_vreg.gather [hbm4b:s0+s3], $0x80, v4, vm0, $0xb8;
	[tilespmem:$0xA480] =	vst v63  }
0x87: {  	_ = 	snop  }
0x88: {  	[tilespmem:s9], [sflag:$0x1] =	stream.indirect_vreg.gather [hbm4b:s0+s3], $0x80, v3, vm0, $0xb8;
	[tilespmem:$0xA480] =	vst v63  }
0x89: {  	v3 =	vld [tilespmem:$0xA0];
	_ =	sdelay $0x4  }
0x8a: {  	v42 =	vshll.u32 v3, $0x1  }
0x8b: {  	v3 =	vand.u32 $0x7, v3;
	v4 =	vand.u32 $0xFFFFFFF0, v42  }
0x8c: {  	v3 =	vor.u32 v3, v4  }
0x8d: {  	v4 =	vperm.xlane v3, v0;
	_ =	sdelay $0x1  }
0x8e: {  	v3 =	vperm.xlane v3, v2;
	v4 =	vadd.s32 v1, v4;
	_ =	sdelay $0x1  }
0x8f: {  	v3 =	vadd.s32 v1, v3;
	_ =	sdelay $0x2  }
0x90: {  	[tilespmem:s10], [sflag:$0x1] =	stream.indirect_vreg.gather [hbm4b:s0+s3], $0x80, v4, vm0, $0xb8;
	[tilespmem:$0xA480] =	vst v63  }
0x91: {  	_ = 	snop  }
0x92: {  	[tilespmem:s11], [sflag:$0x1] =	stream.indirect_vreg.gather [hbm4b:s0+s3], $0x80, v3, vm0, $0xb8;
	[tilespmem:$0xA480] =	vst v63  }
0x93: {  	v3 =	vld [tilespmem:$0xB0];
	_ =	sdelay $0x4  }
0x94: {  	v43 =	vshll.u32 v3, $0x1  }
0x95: {  	v3 =	vand.u32 $0x7, v3;
	v4 =	vand.u32 $0xFFFFFFF0, v43  }
0x96: {  	v3 =	vor.u32 v3, v4  }
0x97: {  	v4 =	vperm.xlane v3, v0;
	_ =	sdelay $0x1  }
0x98: {  	v3 =	vperm.xlane v3, v2;
	v4 =	vadd.s32 v1, v4;
	_ =	sdelay $0x1  }
0x99: {  	v3 =	vadd.s32 v1, v3;
	_ =	sdelay $0x2  }
0x9a: {  	[tilespmem:s12], [sflag:$0x1] =	stream.indirect_vreg.gather [hbm4b:s0+s3], $0x80, v4, vm0, $0xb8;
	[tilespmem:$0xA480] =	vst v63  }
0x9b: {  	_ = 	snop  }
0x9c: {  	[tilespmem:s13], [sflag:$0x1] =	stream.indirect_vreg.gather [hbm4b:s0+s3], $0x80, v3, vm0, $0xb8;
	[tilespmem:$0xA480] =	vst v63  }
0x9d: {  	v3 =	vld [tilespmem:$0xC0];
	_ =	sdelay $0x4  }
0x9e: {  	v44 =	vshll.u32 v3, $0x1  }
0x9f: {  	v3 =	vand.u32 $0x7, v3;
	v4 =	vand.u32 $0xFFFFFFF0, v44  }
0xa0: {  	v3 =	vor.u32 v3, v4  }
0xa1: {  	v4 =	vperm.xlane v3, v0;
	_ =	sdelay $0x1  }
0xa2: {  	v3 =	vperm.xlane v3, v2;
	v4 =	vadd.s32 v1, v4;
	_ =	sdelay $0x1  }
0xa3: {  	v3 =	vadd.s32 v1, v3;
	_ =	sdelay $0x2  }
0xa4: {  	[tilespmem:s14], [sflag:$0x1] =	stream.indirect_vreg.gather [hbm4b:s0+s3], $0x80, v4, vm0, $0xb8;
	[tilespmem:$0xA480] =	vst v63  }
0xa5: {  	_ = 	snop  }
0xa6: {  	[tilespmem:s15], [sflag:$0x1] =	stream.indirect_vreg.gather [hbm4b:s0+s3], $0x80, v3, vm0, $0xb8;
	[tilespmem:$0xA480] =	vst v63  }
0xa7: {  	v3 =	vld [tilespmem:$0xD0];
	_ =	sdelay $0x4  }
0xa8: {  	v45 =	vshll.u32 v3, $0x1  }
0xa9: {  	v3 =	vand.u32 $0x7, v3;
	v4 =	vand.u32 $0xFFFFFFF0, v45  }
0xaa: {  	v3 =	vor.u32 v3, v4  }
0xab: {  	v4 =	vperm.xlane v3, v0;
	_ =	sdelay $0x1  }
0xac: {  	v3 =	vperm.xlane v3, v2;
	v4 =	vadd.s32 v1, v4;
	_ =	sdelay $0x1  }
0xad: {  	v3 =	vadd.s32 v1, v3;
	_ =	sdelay $0x2  }
0xae: {  	[tilespmem:s16], [sflag:$0x1] =	stream.indirect_vreg.gather [hbm4b:s0+s3], $0x80, v4, vm0, $0xb8;
	[tilespmem:$0xA480] =	vst v63  }
0xaf: {  	_ = 	snop  }
0xb0: {  	[tilespmem:s17], [sflag:$0x1] =	stream.indirect_vreg.gather [hbm4b:s0+s3], $0x80, v3, vm0, $0xb8;
	[tilespmem:$0xA480] =	vst v63  }
0xb1: {  	v3 =	vld [tilespmem:$0xE0];
	_ =	sdelay $0x4  }
0xb2: {  	v46 =	vshll.u32 v3, $0x1  }
0xb3: {  	v3 =	vand.u32 $0x7, v3;
	v4 =	vand.u32 $0xFFFFFFF0, v46  }
0xb4: {  	v3 =	vor.u32 v3, v4  }
0xb5: {  	v4 =	vperm.xlane v3, v0;
	_ =	sdelay $0x1  }
0xb6: {  	v3 =	vperm.xlane v3, v2;
	v4 =	vadd.s32 v1, v4;
	_ =	sdelay $0x1  }
0xb7: {  	v3 =	vadd.s32 v1, v3;
	_ =	sdelay $0x2  }
0xb8: {  	[tilespmem:s18], [sflag:$0x1] =	stream.indirect_vreg.gather [hbm4b:s0+s3], $0x80, v4, vm0, $0xb8;
	[tilespmem:$0xA480] =	vst v63  }
0xb9: {  	_ = 	snop  }
0xba: {  	[tilespmem:s19], [sflag:$0x1] =	stream.indirect_vreg.gather [hbm4b:s0+s3], $0x80, v3, vm0, $0xb8;
	[tilespmem:$0xA480] =	vst v63  }
0xbb: {  	v3 =	vld [tilespmem:$0xF0];
	_ =	sdelay $0x4  }
0xbc: {  	v47 =	vshll.u32 v3, $0x1  }
0xbd: {  	v3 =	vand.u32 $0x7, v3;
	v4 =	vand.u32 $0xFFFFFFF0, v47  }
0xbe: {  	v3 =	vor.u32 v3, v4  }
0xbf: {  	v4 =	vperm.xlane v3, v0;
	_ =	sdelay $0x1  }
0xc0: {  	v3 =	vperm.xlane v3, v2;
	v4 =	vadd.s32 v1, v4;
	_ =	sdelay $0x1  }
0xc1: {  	v3 =	vadd.s32 v1, v3;
	_ =	sdelay $0x2  }
0xc2: {  	[tilespmem:s20], [sflag:$0x1] =	stream.indirect_vreg.gather [hbm4b:s0+s3], $0x80, v4, vm0, $0xb8;
	[tilespmem:$0xA480] =	vst v63  }
0xc3: {  	_ = 	snop  }
0xc4: {  	[tilespmem:s21], [sflag:$0x1] =	stream.indirect_vreg.gather [hbm4b:s0+s3], $0x80, v3, vm0, $0xb8;
	[tilespmem:$0xA480] =	vst v63  }
0xc5: {  	_ =	swait.ge [sflag:s22], $0x8000  }
0xc6: {  	[sflag:s22] =	ssyncset.done $0x0  }
0xc7: {  	s1 =	rddreg [dreg:$0xa];
	[sflag:s22] =	ssyncadd.s32 $0xFFFF8000  }
0xc8: {  	[hbm4b:s1+s3] =	stream.linear.scatter [tilespmem:s6], [sflag:$0x2], $0x8000, $0x38;
	[tilespmem:$0xA480] =	vst v63  }
0xc9: {  	_ =	swait.ge [sflag:s5], $0x8000  }
0xca: {  	[sflag:s5] =	ssyncset.done $0x0  }
0xcb: {  	[sflag:s5] =	ssyncadd.s32 $0xFFFF8000  }
0xcc: {  	v3 =	vld [tilespmem:$0x100];
	_ =	sdelay $0x4  }
0xcd: {  	v48 =	vshll.u32 v3, $0x1  }
0xce: {  	v3 =	vand.u32 $0x7, v3;
	v4 =	vand.u32 $0xFFFFFFF0, v48  }
0xcf: {  	v3 =	vor.u32 v3, v4  }
0xd0: {  	v4 =	vperm.xlane v3, v0;
	_ =	sdelay $0x1  }
0xd1: {  	v3 =	vperm.xlane v3, v2;
	v4 =	vadd.s32 v1, v4;
	_ =	sdelay $0x1  }
0xd2: {  	v3 =	vadd.s32 v1, v3;
	_ =	sdelay $0x2  }
0xd3: {  	[tilespmem:s6], [sflag:$0x1] =	stream.indirect_vreg.gather [hbm4b:s0+s3], $0x80, v4, vm0, $0xb8;
	[tilespmem:$0xA480] =	vst v63  }
0xd4: {  	_ = 	snop  }
0xd5: {  	[tilespmem:s7], [sflag:$0x1] =	stream.indirect_vreg.gather [hbm4b:s0+s3], $0x80, v3, vm0, $0xb8;
	[tilespmem:$0xA480] =	vst v63  }
0xd6: {  	v3 =	vld [tilespmem:$0x110];
	_ =	sdelay $0x4  }
0xd7: {  	v49 =	vshll.u32 v3, $0x1  }
0xd8: {  	v3 =	vand.u32 $0x7, v3;
	v4 =	vand.u32 $0xFFFFFFF0, v49  }
0xd9: {  	v3 =	vor.u32 v3, v4  }
0xda: {  	v4 =	vperm.xlane v3, v0;
	_ =	sdelay $0x1  }
0xdb: {  	v3 =	vperm.xlane v3, v2;
	v4 =	vadd.s32 v1, v4;
	_ =	sdelay $0x1  }
0xdc: {  	v3 =	vadd.s32 v1, v3;
	_ =	sdelay $0x2  }
0xdd: {  	[tilespmem:s8], [sflag:$0x1] =	stream.indirect_vreg.gather [hbm4b:s0+s3], $0x80, v4, vm0, $0xb8;
	[tilespmem:$0xA480] =	vst v63  }
0xde: {  	_ = 	snop  }
0xdf: {  	[tilespmem:s9], [sflag:$0x1] =	stream.indirect_vreg.gather [hbm4b:s0+s3], $0x80, v3, vm0, $0xb8;
	[tilespmem:$0xA480] =	vst v63  }
0xe0: {  	v3 =	vld [tilespmem:$0x120];
	_ =	sdelay $0x4  }
0xe1: {  	v50 =	vshll.u32 v3, $0x1  }
0xe2: {  	v3 =	vand.u32 $0x7, v3;
	v4 =	vand.u32 $0xFFFFFFF0, v50  }
0xe3: {  	v3 =	vor.u32 v3, v4  }
0xe4: {  	v4 =	vperm.xlane v3, v0;
	_ =	sdelay $0x1  }
0xe5: {  	v3 =	vperm.xlane v3, v2;
	v4 =	vadd.s32 v1, v4;
	_ =	sdelay $0x1  }
0xe6: {  	v3 =	vadd.s32 v1, v3;
	_ =	sdelay $0x2  }
0xe7: {  	[tilespmem:s10], [sflag:$0x1] =	stream.indirect_vreg.gather [hbm4b:s0+s3], $0x80, v4, vm0, $0xb8;
	[tilespmem:$0xA480] =	vst v63  }
0xe8: {  	_ = 	snop  }
0xe9: {  	[tilespmem:s11], [sflag:$0x1] =	stream.indirect_vreg.gather [hbm4b:s0+s3], $0x80, v3, vm0, $0xb8;
	[tilespmem:$0xA480] =	vst v63  }
0xea: {  	v3 =	vld [tilespmem:$0x130];
	_ =	sdelay $0x4  }
0xeb: {  	v51 =	vshll.u32 v3, $0x1  }
0xec: {  	v3 =	vand.u32 $0x7, v3;
	v4 =	vand.u32 $0xFFFFFFF0, v51  }
0xed: {  	v3 =	vor.u32 v3, v4  }
0xee: {  	v4 =	vperm.xlane v3, v0;
	_ =	sdelay $0x1  }
0xef: {  	v3 =	vperm.xlane v3, v2;
	v4 =	vadd.s32 v1, v4;
	_ =	sdelay $0x1  }
0xf0: {  	v3 =	vadd.s32 v1, v3;
	_ =	sdelay $0x2  }
0xf1: {  	[tilespmem:s12], [sflag:$0x1] =	stream.indirect_vreg.gather [hbm4b:s0+s3], $0x80, v4, vm0, $0xb8;
	[tilespmem:$0xA480] =	vst v63  }
0xf2: {  	_ = 	snop  }
0xf3: {  	[tilespmem:s13], [sflag:$0x1] =	stream.indirect_vreg.gather [hbm4b:s0+s3], $0x80, v3, vm0, $0xb8;
	[tilespmem:$0xA480] =	vst v63  }
0xf4: {  	v3 =	vld [tilespmem:$0x140];
	_ =	sdelay $0x4  }
0xf5: {  	v52 =	vshll.u32 v3, $0x1  }
0xf6: {  	v3 =	vand.u32 $0x7, v3;
	v4 =	vand.u32 $0xFFFFFFF0, v52  }
0xf7: {  	v3 =	vor.u32 v3, v4  }
0xf8: {  	v4 =	vperm.xlane v3, v0;
	_ =	sdelay $0x1  }
0xf9: {  	v3 =	vperm.xlane v3, v2;
	v4 =	vadd.s32 v1, v4;
	_ =	sdelay $0x1  }
0xfa: {  	v3 =	vadd.s32 v1, v3;
	_ =	sdelay $0x2  }
0xfb: {  	[tilespmem:s14], [sflag:$0x1] =	stream.indirect_vreg.gather [hbm4b:s0+s3], $0x80, v4, vm0, $0xb8;
	[tilespmem:$0xA480] =	vst v63  }
0xfc: {  	_ = 	snop  }
0xfd: {  	[tilespmem:s15], [sflag:$0x1] =	stream.indirect_vreg.gather [hbm4b:s0+s3], $0x80, v3, vm0, $0xb8;
	[tilespmem:$0xA480] =	vst v63  }
0xfe: {  	v3 =	vld [tilespmem:$0x150];
	_ =	sdelay $0x4  }
0xff: {  	v53 =	vshll.u32 v3, $0x1  }
0x100: {  	v3 =	vand.u32 $0x7, v3;
	v4 =	vand.u32 $0xFFFFFFF0, v53  }
0x101: {  	v3 =	vor.u32 v3, v4  }
0x102: {  	v4 =	vperm.xlane v3, v0;
	_ =	sdelay $0x1  }
0x103: {  	v3 =	vperm.xlane v3, v2;
	v4 =	vadd.s32 v1, v4;
	_ =	sdelay $0x1  }
0x104: {  	v3 =	vadd.s32 v1, v3;
	_ =	sdelay $0x2  }
0x105: {  	[tilespmem:s16], [sflag:$0x1] =	stream.indirect_vreg.gather [hbm4b:s0+s3], $0x80, v4, vm0, $0xb8;
	[tilespmem:$0xA480] =	vst v63  }
0x106: {  	_ = 	snop  }
0x107: {  	[tilespmem:s17], [sflag:$0x1] =	stream.indirect_vreg.gather [hbm4b:s0+s3], $0x80, v3, vm0, $0xb8;
	[tilespmem:$0xA480] =	vst v63  }
0x108: {  	v3 =	vld [tilespmem:$0x160];
	_ =	sdelay $0x4  }
0x109: {  	v54 =	vshll.u32 v3, $0x1  }
0x10a: {  	v3 =	vand.u32 $0x7, v3;
	v4 =	vand.u32 $0xFFFFFFF0, v54  }
0x10b: {  	v3 =	vor.u32 v3, v4  }
0x10c: {  	v4 =	vperm.xlane v3, v0;
	_ =	sdelay $0x1  }
0x10d: {  	v3 =	vperm.xlane v3, v2;
	v4 =	vadd.s32 v1, v4;
	_ =	sdelay $0x1  }
0x10e: {  	v3 =	vadd.s32 v1, v3;
	_ =	sdelay $0x2  }
0x10f: {  	[tilespmem:s18], [sflag:$0x1] =	stream.indirect_vreg.gather [hbm4b:s0+s3], $0x80, v4, vm0, $0xb8;
	[tilespmem:$0xA480] =	vst v63  }
0x110: {  	_ = 	snop  }
0x111: {  	[tilespmem:s19], [sflag:$0x1] =	stream.indirect_vreg.gather [hbm4b:s0+s3], $0x80, v3, vm0, $0xb8;
	[tilespmem:$0xA480] =	vst v63  }
0x112: {  	v3 =	vld [tilespmem:$0x170];
	_ =	sdelay $0x4  }
0x113: {  	v55 =	vshll.u32 v3, $0x1  }
0x114: {  	v3 =	vand.u32 $0x7, v3;
	v4 =	vand.u32 $0xFFFFFFF0, v55  }
0x115: {  	v3 =	vor.u32 v3, v4  }
0x116: {  	v4 =	vperm.xlane v3, v0;
	_ =	sdelay $0x1  }
0x117: {  	v3 =	vperm.xlane v3, v2;
	v4 =	vadd.s32 v1, v4;
	_ =	sdelay $0x1  }
0x118: {  	v3 =	vadd.s32 v1, v3;
	_ =	sdelay $0x2  }
0x119: {  	[tilespmem:s20], [sflag:$0x1] =	stream.indirect_vreg.gather [hbm4b:s0+s3], $0x80, v4, vm0, $0xb8;
	[tilespmem:$0xA480] =	vst v63  }
0x11a: {  	_ = 	snop  }
0x11b: {  	[tilespmem:s21], [sflag:$0x1] =	stream.indirect_vreg.gather [hbm4b:s0+s3], $0x80, v3, vm0, $0xb8;
	[tilespmem:$0xA480] =	vst v63  }
0x11c: {  	_ =	swait.ge [sflag:s22], $0x8000  }
0x11d: {  	[sflag:s22] =	ssyncset.done $0x0  }
0x11e: {  	s29 =	rddreg [dreg:$0xb];
	[sflag:s22] =	ssyncadd.s32 $0xFFFF8000  }
0x11f: {  	[hbm4b:s29+s3] =	stream.linear.scatter [tilespmem:s6], [sflag:$0x2], $0x8000, $0x38;
	[tilespmem:$0xA480] =	vst v63  }
0x120: {  	_ =	swait.ge [sflag:s5], $0x8000  }
0x121: {  	[sflag:s5] =	ssyncset.done $0x0  }
0x122: {  	[sflag:s5] =	ssyncadd.s32 $0xFFFF8000  }
0x123: {  	v3 =	vld [tilespmem:$0x180];
	_ =	sdelay $0x4  }
0x124: {  	v56 =	vshll.u32 v3, $0x1  }
0x125: {  	v3 =	vand.u32 $0x7, v3;
	v4 =	vand.u32 $0xFFFFFFF0, v56  }
0x126: {  	v3 =	vor.u32 v3, v4  }
0x127: {  	v4 =	vperm.xlane v3, v0;
	_ =	sdelay $0x1  }
0x128: {  	v3 =	vperm.xlane v3, v2;
	v4 =	vadd.s32 v1, v4;
	_ =	sdelay $0x1  }
0x129: {  	v3 =	vadd.s32 v1, v3;
	_ =	sdelay $0x2  }
0x12a: {  	[tilespmem:s6], [sflag:$0x1] =	stream.indirect_vreg.gather [hbm4b:s0+s3], $0x80, v4, vm0, $0xb8;
	[tilespmem:$0xA480] =	vst v63  }
0x12b: {  	_ = 	snop  }
0x12c: {  	[tilespmem:s7], [sflag:$0x1] =	stream.indirect_vreg.gather [hbm4b:s0+s3], $0x80, v3, vm0, $0xb8;
	[tilespmem:$0xA480] =	vst v63  }
0x12d: {  	v3 =	vld [tilespmem:$0x190];
	_ =	sdelay $0x4  }
0x12e: {  	v57 =	vshll.u32 v3, $0x1  }
0x12f: {  	v3 =	vand.u32 $0x7, v3;
	v4 =	vand.u32 $0xFFFFFFF0, v57  }
0x130: {  	v3 =	vor.u32 v3, v4  }
0x131: {  	v4 =	vperm.xlane v3, v0;
	_ =	sdelay $0x1  }
0x132: {  	v3 =	vperm.xlane v3, v2;
	v4 =	vadd.s32 v1, v4;
	_ =	sdelay $0x1  }
0x133: {  	v3 =	vadd.s32 v1, v3;
	_ =	sdelay $0x2  }
0x134: {  	[tilespmem:s8], [sflag:$0x1] =	stream.indirect_vreg.gather [hbm4b:s0+s3], $0x80, v4, vm0, $0xb8;
	[tilespmem:$0xA480] =	vst v63  }
0x135: {  	_ = 	snop  }
0x136: {  	[tilespmem:s9], [sflag:$0x1] =	stream.indirect_vreg.gather [hbm4b:s0+s3], $0x80, v3, vm0, $0xb8;
	[tilespmem:$0xA480] =	vst v63  }
0x137: {  	v3 =	vld [tilespmem:$0x1A0];
	_ =	sdelay $0x4  }
0x138: {  	v58 =	vshll.u32 v3, $0x1  }
0x139: {  	v3 =	vand.u32 $0x7, v3;
	v4 =	vand.u32 $0xFFFFFFF0, v58  }
0x13a: {  	v3 =	vor.u32 v3, v4  }
0x13b: {  	v4 =	vperm.xlane v3, v0;
	_ =	sdelay $0x1  }
0x13c: {  	v3 =	vperm.xlane v3, v2;
	v4 =	vadd.s32 v1, v4;
	_ =	sdelay $0x1  }
0x13d: {  	v3 =	vadd.s32 v1, v3;
	_ =	sdelay $0x2  }
0x13e: {  	[tilespmem:s10], [sflag:$0x1] =	stream.indirect_vreg.gather [hbm4b:s0+s3], $0x80, v4, vm0, $0xb8;
	[tilespmem:$0xA480] =	vst v63  }
0x13f: {  	_ = 	snop  }
0x140: {  	[tilespmem:s11], [sflag:$0x1] =	stream.indirect_vreg.gather [hbm4b:s0+s3], $0x80, v3, vm0, $0xb8;
	[tilespmem:$0xA480] =	vst v63  }
0x141: {  	v3 =	vld [tilespmem:$0x1B0];
	_ =	sdelay $0x4  }
0x142: {  	v59 =	vshll.u32 v3, $0x1  }
0x143: {  	v3 =	vand.u32 $0x7, v3;
	v4 =	vand.u32 $0xFFFFFFF0, v59  }
0x144: {  	v3 =	vor.u32 v3, v4  }
0x145: {  	v4 =	vperm.xlane v3, v0;
	_ =	sdelay $0x1  }
0x146: {  	v3 =	vperm.xlane v3, v2;
	v4 =	vadd.s32 v1, v4;
	_ =	sdelay $0x1  }
0x147: {  	v3 =	vadd.s32 v1, v3;
	_ =	sdelay $0x2  }
0x148: {  	[tilespmem:s12], [sflag:$0x1] =	stream.indirect_vreg.gather [hbm4b:s0+s3], $0x80, v4, vm0, $0xb8;
	[tilespmem:$0xA480] =	vst v63  }
0x149: {  	_ = 	snop  }
0x14a: {  	[tilespmem:s13], [sflag:$0x1] =	stream.indirect_vreg.gather [hbm4b:s0+s3], $0x80, v3, vm0, $0xb8;
	[tilespmem:$0xA480] =	vst v63  }
0x14b: {  	v3 =	vld [tilespmem:$0x1C0];
	_ =	sdelay $0x4  }
0x14c: {  	v60 =	vshll.u32 v3, $0x1  }
0x14d: {  	v3 =	vand.u32 $0x7, v3;
	v4 =	vand.u32 $0xFFFFFFF0, v60  }
0x14e: {  	v3 =	vor.u32 v3, v4  }
0x14f: {  	v4 =	vperm.xlane v3, v0;
	_ =	sdelay $0x1  }
0x150: {  	v3 =	vperm.xlane v3, v2;
	v4 =	vadd.s32 v1, v4;
	_ =	sdelay $0x1  }
0x151: {  	v3 =	vadd.s32 v1, v3;
	_ =	sdelay $0x2  }
0x152: {  	[tilespmem:s14], [sflag:$0x1] =	stream.indirect_vreg.gather [hbm4b:s0+s3], $0x80, v4, vm0, $0xb8;
	[tilespmem:$0xA480] =	vst v63  }
0x153: {  	_ = 	snop  }
0x154: {  	[tilespmem:s15], [sflag:$0x1] =	stream.indirect_vreg.gather [hbm4b:s0+s3], $0x80, v3, vm0, $0xb8;
	[tilespmem:$0xA480] =	vst v63  }
0x155: {  	v3 =	vld [tilespmem:$0x1D0];
	_ =	sdelay $0x4  }
0x156: {  	v61 =	vshll.u32 v3, $0x1  }
0x157: {  	v3 =	vand.u32 $0x7, v3;
	v4 =	vand.u32 $0xFFFFFFF0, v61  }
0x158: {  	v3 =	vor.u32 v3, v4  }
0x159: {  	v4 =	vperm.xlane v3, v0;
	_ =	sdelay $0x1  }
0x15a: {  	v3 =	vperm.xlane v3, v2;
	v4 =	vadd.s32 v1, v4;
	_ =	sdelay $0x1  }
0x15b: {  	v3 =	vadd.s32 v1, v3;
	_ =	sdelay $0x2  }
0x15c: {  	[tilespmem:s16], [sflag:$0x1] =	stream.indirect_vreg.gather [hbm4b:s0+s3], $0x80, v4, vm0, $0xb8;
	[tilespmem:$0xA480] =	vst v63  }
0x15d: {  	_ = 	snop  }
0x15e: {  	[tilespmem:s17], [sflag:$0x1] =	stream.indirect_vreg.gather [hbm4b:s0+s3], $0x80, v3, vm0, $0xb8;
	[tilespmem:$0xA480] =	vst v63  }
0x15f: {  	v3 =	vld [tilespmem:$0x1E0];
	_ =	sdelay $0x4  }
0x160: {  	v62 =	vshll.u32 v3, $0x1  }
0x161: {  	v3 =	vand.u32 $0x7, v3;
	v4 =	vand.u32 $0xFFFFFFF0, v62  }
0x162: {  	v3 =	vor.u32 v3, v4  }
0x163: {  	v4 =	vperm.xlane v3, v0;
	_ =	sdelay $0x1  }
0x164: {  	v3 =	vperm.xlane v3, v2;
	v4 =	vadd.s32 v1, v4;
	_ =	sdelay $0x1  }
0x165: {  	v3 =	vadd.s32 v1, v3;
	_ =	sdelay $0x2  }
0x166: {  	[tilespmem:s18], [sflag:$0x1] =	stream.indirect_vreg.gather [hbm4b:s0+s3], $0x80, v4, vm0, $0xb8;
	[tilespmem:$0xA480] =	vst v63  }
0x167: {  	_ = 	snop  }
0x168: {  	[tilespmem:s19], [sflag:$0x1] =	stream.indirect_vreg.gather [hbm4b:s0+s3], $0x80, v3, vm0, $0xb8;
	[tilespmem:$0xA480] =	vst v63  }
0x169: {  	v3 =	vld [tilespmem:$0x1F0];
	_ =	sdelay $0x4  }
0x16a: {  	v63 =	vshll.u32 v3, $0x1  }
0x16b: {  	v3 =	vand.u32 $0x7, v3;
	v4 =	vand.u32 $0xFFFFFFF0, v63  }
0x16c: {  	v3 =	vor.u32 v3, v4  }
0x16d: {  	v4 =	vperm.xlane v3, v0;
	_ =	sdelay $0x1  }
0x16e: {  	v3 =	vperm.xlane v3, v2;
	v4 =	vadd.s32 v1, v4;
	_ =	sdelay $0x1  }
0x16f: {  	v3 =	vadd.s32 v1, v3;
	_ =	sdelay $0x2  }
0x170: {  	[tilespmem:s20], [sflag:$0x1] =	stream.indirect_vreg.gather [hbm4b:s0+s3], $0x80, v4, vm0, $0xb8;
	[tilespmem:$0xA480] =	vst v63  }
0x171: {  	_ = 	snop  }
0x172: {  	[tilespmem:s21], [sflag:$0x1] =	stream.indirect_vreg.gather [hbm4b:s0+s3], $0x80, v3, vm0, $0xb8;
	[tilespmem:$0xA480] =	vst v63  }
0x173: {  	_ =	swait.ge [sflag:s22], $0x8000  }
0x174: {  	[sflag:s22] =	ssyncset.done $0x0  }
0x175: {  	s30 =	rddreg [dreg:$0xc];
	[sflag:s22] =	ssyncadd.s32 $0xFFFF8000  }
0x176: {  	[hbm4b:s30+s3] =	stream.linear.scatter [tilespmem:s6], [sflag:$0x2], $0x8000, $0x38;
	[tilespmem:$0xA480] =	vst v63  }
0x177: {  	_ =	swait.ge [sflag:s5], $0x8000  }
0x178: {  	s29 =	simm.s32 @!p0 $0x0;
	[sflag:s5] =	ssyncset.done $0x0  }
0x179: {  	s30 =	simm.s32 @!p0 $0x8200;
	s28 =	rddreg [dreg:$0x6];
	[sflag:s5] =	ssyncadd.s32 $0xFFFF8000  }
0x17a: {  	[tilespmem:s30], [sflag:$0x2] =	stream.linear.gather @!p0 [hbm4b:s28+s29], $0x2000, $0x38;
	[tilespmem:$0xA480] =	vst v63  }
0x17b: {  	s28 =	simm.s32 @!p0 $0x2  }
0x17c: {  	_ =	swait.ge @!p0 [sflag:s28], $0x2000  }
0x17d: {  	[sflag:s28] =	ssyncset.done @!p0 $0x0  }
0x17e: {  	[sflag:s28] =	ssyncadd.s32 @!p0 $0xFFFFE000  }
0x17f: {  	[spmem:s2] =	stream.linear.scatter @!p0 [tilespmem:s30], [sflag:$0x2], $0x2000, $0x38;
	[tilespmem:$0xA480] =	vst v63  }
0x180: {  	_ =	swait.ge @!p0 [sflag:s28], $0x2000  }
0x181: {  	[sflag:s28] =	ssyncset.done @!p0 $0x0  }
0x182: {  	[sflag:s28] =	ssyncadd.s32 @!p0 $0xFFFFE000  }
0x183: {  	[bflag:$0x0] =	sbarrier.arrive $0xFFFF  }
0x184: {  	s31 =	rddreg [dreg:$0x7]  }
0x185: {  	[tilespmem:s23], [sflag:$0x2] =	stream.linear.gather [hbm4b:s31+s3], $0x80, $0x38;
	[tilespmem:$0xA480] =	vst v63  }
0x186: {  	_ =	swait.ge [sflag:s5], $0x80  }
0x187: {  	[sflag:s5] =	ssyncset.done $0x0  }
0x188: {  	[sflag:s5] =	ssyncadd.s32 $0xFFFFFF80  }
0x189: {  	[spmem:s2] =	stream.indirect.scatter.add.s32 [tilespmem:s23], [sflag:$0x2], $0x1, s3, s24, $0xb8;
	[tilespmem:$0xA480] =	vst v63  }
0x18a: {  	_ =	swait.ge [sflag:s5], $0x80  }
0x18b: {  	[sflag:s5] =	ssyncset.done $0x0  }
0x18c: {  	[sflag:s5] =	ssyncadd.s32 $0xFFFFFF80  }
0x18d: {  	[spmem:s2] =	stream.indirect.scatter.add.s32 [tilespmem:s23], [sflag:$0x2], $0x1, s24, s24, $0xb8;
	[tilespmem:$0xA480] =	vst v63  }
0x18e: {  	_ =	swait.ge [sflag:s5], $0x80  }
0x18f: {  	[sflag:s5] =	ssyncset.done $0x0  }
0x190: {  	[sflag:s5] =	ssyncadd.s32 $0xFFFFFF80  }
0x191: {  	[spmem:s2] =	stream.indirect.scatter.add.s32 [tilespmem:s23], [sflag:$0x2], $0x1, s25, s24, $0xb8;
	[tilespmem:$0xA480] =	vst v63  }
0x192: {  	_ =	swait.ge [sflag:s5], $0x80  }
0x193: {  	[sflag:s5] =	ssyncset.done $0x0  }
0x194: {  	[sflag:s5] =	ssyncadd.s32 $0xFFFFFF80  }
0x195: {  	[spmem:s2] =	stream.indirect.scatter.add.s32 [tilespmem:s23], [sflag:$0x2], $0x1, s26, s24, $0xb8;
	[tilespmem:$0xA480] =	vst v63  }
0x196: {  	_ =	swait.ge [sflag:s5], $0x80  }
0x197: {  	[sflag:s5] =	ssyncset.done $0x0  }
0x198: {  	[sflag:s5] =	ssyncadd.s32 $0xFFFFFF80  }
0x199: {  	s4 =	sadd.s32 $0xFFFFFFFF, s4;
	[bflag:$0x0] =	sbarrier.arrive $0xFFFF  }
0x19a: {  	[tilespmem:s30], [sflag:$0x2] =	stream.linear.gather @!p0 [spmem:s2], $0x2000, $0x38;
	[tilespmem:$0xA480] =	vst v63  }
0x19b: {  	p1 =	sne.s32 s4, $0x0;
	_ =	swait.ge @!p0 [sflag:s28], $0x2000  }
0x19c: {  	s1 =	simm.s32 @!p0 $0x100;
	s31 =	simm.s32 @!p0 $0x80;
	[sflag:s28] =	ssyncset.done @!p0 $0x0  }
.Ltmp0:
0x19d: {  	s29 =	rddreg [dreg:$0xd];
	[sflag:s28] =	ssyncadd.s32 @!p0 $0xFFFFE000;
	(pc) =	sbr.rel @p1 .LBB2_1-.Ltmp0, $4  }
0x19e: {  	[hbm4b:s29+s31] =	stream.strided.scatter @!p0 [tilespmem:s30], [sflag:$0x2], $0x2000, s1, s31, $0x38;
	[tilespmem:$0xA480] =	vst v63  }
0x19f: {  	_ =	swait.ge @!p0 [sflag:s28], $0x2000  }
0x1a0: {  	[sflag:s28] =	ssyncset.done @!p0 $0x0  }
0x1a1: {  	[sflag:s28] =	ssyncadd.s32 @!p0 $0xFFFFE000  }
0x1a2: {  	_ =	sfence.sel $0x180000  }
0x1a3: {  	[bflag:$0x0] =	sbarrier.arrive $0xFFFF  }
0x1a4: {  	_ =	strace $0x90000047  }
0x1a5: {  	[bflag:$0x2] =	sbarrier.arrive $0xFFFF  }
0x1a6: {  	s0 =	rddreg [dreg:$0x5]  }
0x1a7: {  	s0 =	sadd.s32 @!p0 $0x100000, s0  }
0x1a8: {  	[sflag:s0] =	ssyncadd.tile.s32 @!p0 $0x1;
	_ =	shalt  }
.Lfunc_end2:
_tile_overlayer_lowered:
.L_overlay_start_2:
0x1a9: {  	(tag) =	ssettag $0x2  }
0x1aa: {  	s0 =	rddreg [dreg:$0x0];
	s2 =	stileid.u32  }
0x1ab: {  	s1 =	rddreg [dreg:$0x1];
	p0 =	sne.s32 s2, $0x0  }
0x1ac: {  	s3 =	rddreg [dreg:$0x2];
	[bflag:$0x3] =	sbarrier.arrive $0xFFFF;
	s2 =	simm.s32 @!p0 $0x1C02  }
0x1ad: {  	[timem:s3], [sflag:s2] =	dma.local @!p0 [hbm:s0], s1  }
0x1ae: {  	s0 =	simm.s32 @!p0 $0x2  }
0x1af: {  	_ =	swait.ge @!p0 [sflag:s0], s1  }
0x1b0: {  	s1 =	ssub.s32 @!p0 $0x0, s1;
	[sflag:s0] =	ssyncset.done @!p0 $0x0  }
0x1b1: {  	[sflag:s0] =	ssyncadd.s32 @!p0 s1  }
0x1b2: {  	[bflag:$0x3] =	sbarrier.arrive $0xFFFF  }
0x1b3: {  	_ =	shalt  }

</sc_bundles>
